<compile_context>
chip_gen: v7x
topology: tpu7x:2x2x1
jax: 0.10.2.dev20260603
libtpu: 0.0.44.dev20260713+nightly
codegen_flags: <defaults>
</compile_context>

<pallas_src>
import functools

import jax
import jax.numpy as jnp
from jax import lax
from jax.experimental import pallas as pl
from jax.experimental.pallas import tpu as pltpu
from jax.experimental.pallas import tpu_sc as plsc

N = 100000
DIM = 128
ATOM_DIM = 6
MAX_DIS = 10
LANES = 16
NSEG = DIM // LANES

CHUNK = 400
NWORKERS = 32

TCB = 5000
SPLITS = (50000, 50000)
OFFS = tuple(sum(SPLITS[:i]) for i in range(len(SPLITS)))


def _toff(dvec):
    d_i = dvec[0]
    dc = jnp.where(d_i > 1000, MAX_DIS + 1, jnp.minimum(d_i, MAX_DIS))
    return dc * DIM


def _make_sc_body(nchunks):
    cpw = (nchunks + NWORKERS - 1) // NWORKERS

    def _sc_body(d_hbm, embf_hbm, de_hbm,
                 d_v, t2f_v, out0_v, out1_v, sem0, sem1):
        wid = lax.axis_index("c") * 16 + lax.axis_index("s")

        pltpu.sync_copy(embf_hbm, t2f_v)

        out_bufs = (out0_v, out1_v)
        sems = (sem0, sem1)
        copies = [None, None]

        for t in range(cpw):
            k = jnp.minimum(wid + t * NWORKERS, nchunks - 1)
            base = k * CHUNK
            buf = t % 2
            out_v = out_bufs[buf]

            pltpu.sync_copy(d_hbm.at[pl.ds(base, CHUNK)],
                            d_v.at[pl.ds(0, CHUNK)])
            if copies[buf] is not None:
                copies[buf].wait()

            def row(i, toff, out_v=out_v):
                toff_next = _toff(d_v[pl.ds(i + 1, LANES)])
                segs = [t2f_v[pl.ds(toff + s * LANES, LANES)]
                        for s in range(NSEG)]
                for s in range(NSEG):
                    out_v[i, pl.ds(s * LANES, LANES)] = segs[s]
                return toff_next

            lax.fori_loop(0, CHUNK, row, _toff(d_v[pl.ds(0, LANES)]))
            copies[buf] = pltpu.async_copy(
                out_v, de_hbm.at[pl.ds(base, CHUNK)], sems[buf])

        for c in copies:
            c.wait()

    return _sc_body


def _tc_body(x_ref, de_ref, w_ref, b_ref, out_ref):
    out_ref[...] = (
        jnp.dot(x_ref[...], w_ref[...], preferred_element_type=jnp.float32)
        + de_ref[...] + b_ref[...])


def _tc_body_alias(x_ref, de_ref, w_ref, b_ref, prev_ref, out_ref):
    del prev_ref
    _tc_body(x_ref, de_ref, w_ref, b_ref, out_ref)


@jax.jit
def _run(x, d, W, b2, embf):
    mesh = plsc.VectorSubcoreMesh(core_axis_name="c", subcore_axis_name="s")

    des = []
    for sp, off in zip(SPLITS, OFFS):
        sc_kern = functools.partial(
            pl.kernel,
            mesh=mesh,
            out_type=jax.ShapeDtypeStruct((sp, DIM), jnp.float32),
            scratch_types=[
                pltpu.VMEM((CHUNK + LANES,), jnp.int32),
                pltpu.VMEM(((MAX_DIS + 2) * DIM,), jnp.float32),
                pltpu.VMEM((CHUNK, DIM), jnp.float32),
                pltpu.VMEM((CHUNK, DIM), jnp.float32),
                pltpu.SemaphoreType.DMA,
                pltpu.SemaphoreType.DMA,
            ],
        )(_make_sc_body(sp // CHUNK))
        des.append(sc_kern(lax.dynamic_slice_in_dim(d, off, sp), embf))

    out = None
    for sp, off, de in zip(SPLITS, OFFS, des):
        blk_off = off // TCB
        in_specs = [
            pl.BlockSpec((TCB, ATOM_DIM), lambda i, o=blk_off: (i + o, 0)),
            pl.BlockSpec((TCB, DIM), lambda i: (i, 0)),
            pl.BlockSpec((ATOM_DIM, DIM), lambda i: (0, 0)),
            pl.BlockSpec((1, DIM), lambda i: (0, 0)),
        ]
        args = [x, de, W, b2]
        body = _tc_body
        aliases = {}
        if out is not None:
            in_specs.append(pl.BlockSpec(memory_space=pl.ANY))
            args.append(out)
            body = _tc_body_alias
            aliases = {4: 0}
        out = pl.pallas_call(
            body,
            grid=(sp // TCB,),
            in_specs=in_specs,
            out_specs=pl.BlockSpec((TCB, DIM), lambda i, o=blk_off: (i + o, 0)),
            out_shape=jax.ShapeDtypeStruct((N, DIM), jnp.float32),
            input_output_aliases=aliases,
        )(*args)
    return out


def kernel(x, d, W, b, emb_d):
    return _run(x, d, W, b.reshape(1, DIM), emb_d.reshape(-1))

# --- scband reference (transcript-rebuilt; emitter-appended) ---
"""Pipeline reference for scband-atom-26645977105004 (READ-ONLY COPY).

The authoritative reference and input builder live on the scoring server;
editing this copy changes nothing except your own understanding.
"""

import jax, jax.numpy as jnp
import numpy as np

DIM = 128
MAX_DIS = 10
ATOM_DIM = 6
N = 100000

def setup_inputs(seed: int = 0) -> dict:
    key = jax.random.key(seed)
    k1, k2, k3, k4, k5 = jax.random.split(key, 5)
    x = jax.random.normal(k1, (N, ATOM_DIM), dtype=jnp.float32)
    d = jax.random.randint(k2, (N,), 0, 2000, dtype=jnp.int64 if jax.config.read('jax_enable_x64') else jnp.int32).astype(jnp.int32)
    # Linear params: embed_v = nn.Linear(atom_dim, dim)
    bound = 1.0 / np.sqrt(ATOM_DIM)
    W = jax.random.uniform(k3, (ATOM_DIM, DIM), minval=-bound, maxval=bound, dtype=jnp.float32)
    b = jax.random.uniform(k4, (DIM,), minval=-bound, maxval=bound, dtype=jnp.float32)
    # Embedding table: embed_d = nn.Embedding(max_dis + 2, dim)
    emb_d = jax.random.normal(k5, (MAX_DIS + 2, DIM), dtype=jnp.float32)
    return {"x": x, "d": d, "W": W, "b": b, "emb_d": emb_d}

def reference(x, d, W, b, emb_d):
    # x = self.embed_v(batch.x.to(torch.float))  (Linear path, dataset_type='tu')
    xe = jnp.dot(x.astype(jnp.float32), W) + b
    # d = torch.clamp(batch.d, max=self.max_dis); d[batch.d > 1000] = self.max_dis + 1
    dc = jnp.minimum(d, MAX_DIS)
    dc = jnp.where(d > 1000, MAX_DIS + 1, dc)
    # d = self.embed_d(d)
    de = jnp.take(emb_d, dc, axis=0)
    # batch.x = x + d
    return xe + de

if __name__ == "__main__":
    import jax
    _d = setup_inputs()
    print(jax.jit(kernel)(*tuple(_d.values())))

</pallas_src>

<mosaic_0001>
#map = affine_map<(d0, d1) -> (0)>
#map1 = affine_map<(d0, d1) -> (0, 0)>
module attributes {stable_mosaic.version = 14 : i64} {
  func.func @_sc_body(%arg0: i32, %arg1: i32, %arg2: memref<50000xi32, #tpu.memory_space<hbm>>, %arg3: memref<1536xf32, #tpu.memory_space<hbm>>, %arg4: memref<50000x128xf32, #tpu.memory_space<hbm>>, %arg5: memref<416xi32, #tpu.memory_space<vmem>>, %arg6: memref<1536xf32, #tpu.memory_space<vmem>>, %arg7: memref<400x128xf32, #tpu.memory_space<vmem>>, %arg8: memref<400x128xf32, #tpu.memory_space<vmem>>, %arg9: memref<!tpu.dma_semaphore, #tpu.memory_space<semaphore_mem>>, %arg10: memref<!tpu.dma_semaphore, #tpu.memory_space<semaphore_mem>>) attributes {dimension_semantics = [#tpu.dimension_semantics<core_parallel>, #tpu.dimension_semantics<subcore_parallel>], iteration_bounds = array<i64: 2, 16>, scalar_prefetch = 0 : i64, scratch_operands = 6 : i64, tpu.core_type = #tpu.core_type<sc_vector_subcore>, window_params = [{transform_indices = #map}, {transform_indices = #map}, {transform_indices = #map1}]} {
    %mul3A = arith.constant 16 : i32
    %mul3A_0 = arith.muli %arg0, %mul3A : i32
    %add3A = arith.addi %mul3A_0, %arg1 : i32
    "tpu.region"() ({
      %run_scoped3A = tpu.sem_alloc : memref<!tpu.dma_semaphore, #tpu.memory_space<semaphore_mem>>
      tpu.enqueue_dma source(%arg3 : memref<1536xf32, #tpu.memory_space<hbm>>) target(%arg6 : memref<1536xf32, #tpu.memory_space<vmem>>) target_semaphore(%run_scoped3A : memref<!tpu.dma_semaphore, #tpu.memory_space<semaphore_mem>>)
      tpu.wait_dma2 semaphore(%run_scoped3A : memref<!tpu.dma_semaphore, #tpu.memory_space<semaphore_mem>>) src(%arg3 : memref<1536xf32, #tpu.memory_space<hbm>>) dst(%arg6 : memref<1536xf32, #tpu.memory_space<vmem>>)
      tpu.yield
    }) : () -> ()
    %add3A_1 = arith.constant 0 : i32
    %add3A_2 = arith.addi %add3A, %add3A_1 : i32
    %min3A = arith.constant 124 : i32
    %min3A_3 = arith.minsi %add3A_2, %min3A : i32
    %mul3A_4 = arith.constant 400 : i32
    %mul3A_5 = arith.muli %min3A_3, %mul3A_4 : i32
    "tpu.region"() ({
      %run_scoped3A = tpu.sem_alloc : memref<!tpu.dma_semaphore, #tpu.memory_space<semaphore_mem>>
      %dma_start3A_123 = arith.constant 0 : i32
      %dma_start3A_124 = tpu.memref_slice %arg5[%dma_start3A_123] : memref<416xi32, #tpu.memory_space<vmem>> -> memref<400xi32, #tpu.memory_space<vmem>>
      %dma_start3A_125 = tpu.memref_slice %arg2[%mul3A_5] : memref<50000xi32, #tpu.memory_space<hbm>> -> memref<400xi32, #tpu.memory_space<hbm>>
      %dma_start3A_126 = arith.constant 0 : i32
      %dma_start3A_127 = tpu.memref_slice %arg5[%dma_start3A_126] : memref<416xi32, #tpu.memory_space<vmem>> -> memref<400xi32, #tpu.memory_space<vmem>>
      %dma_start3A_128 = tpu.memref_slice %arg2[%mul3A_5] : memref<50000xi32, #tpu.memory_space<hbm>> -> memref<400xi32, #tpu.memory_space<hbm>>
      tpu.enqueue_dma source(%dma_start3A_128 : memref<400xi32, #tpu.memory_space<hbm>>) target(%dma_start3A_127 : memref<400xi32, #tpu.memory_space<vmem>>) target_semaphore(%run_scoped3A : memref<!tpu.dma_semaphore, #tpu.memory_space<semaphore_mem>>)
      %dma_wait3A_129 = arith.constant 0 : i32
      %dma_wait3A_130 = tpu.memref_slice %arg5[%dma_wait3A_129] : memref<416xi32, #tpu.memory_space<vmem>> -> memref<400xi32, #tpu.memory_space<vmem>>
      %dma_wait3A_131 = tpu.memref_slice %arg2[%mul3A_5] : memref<50000xi32, #tpu.memory_space<hbm>> -> memref<400xi32, #tpu.memory_space<hbm>>
      %dma_wait3A_132 = arith.constant 0 : i32
      %dma_wait3A_133 = tpu.memref_slice %arg5[%dma_wait3A_132] : memref<416xi32, #tpu.memory_space<vmem>> -> memref<400xi32, #tpu.memory_space<vmem>>
      %dma_wait3A_134 = tpu.memref_slice %arg2[%mul3A_5] : memref<50000xi32, #tpu.memory_space<hbm>> -> memref<400xi32, #tpu.memory_space<hbm>>
      tpu.wait_dma2 semaphore(%run_scoped3A : memref<!tpu.dma_semaphore, #tpu.memory_space<semaphore_mem>>) src(%dma_wait3A_134 : memref<400xi32, #tpu.memory_space<hbm>>) dst(%dma_wait3A_133 : memref<400xi32, #tpu.memory_space<vmem>>)
      tpu.yield
    }) : () -> ()
    %get3A = arith.constant 0 : index
    %get3A_6 = tpu.vector_load %arg5[%get3A] {strides = array<i32>} : memref<416xi32, #tpu.memory_space<vmem>>, vector<16xi32>,
    %get3A_7 = vector.shape_cast %get3A_6 : vector<16xi32> to vector<16xi32>
    %slice3A = vector.extract_strided_slice %get3A_7 {offsets = [0], sizes = [1], strides = [1]} : vector<16xi32> to vector<1xi32>
    %squeeze3A = vector.extract %slice3A[0] : i32 from vector<1xi32>
    %gt3A = arith.constant 1000 : i32
    %gt3A_8 = arith.cmpi sgt, %squeeze3A, %gt3A : i32
    %min3A_9 = arith.constant 10 : i32
    %min3A_10 = arith.minsi %squeeze3A, %min3A_9 : i32
    %jit3A = arith.constant 11 : i32
    %select_n3A = arith.select %gt3A_8, %jit3A, %min3A_10 : i32
    %mul3A_11 = arith.constant 128 : i32
    %mul3A_12 = arith.muli %select_n3A, %mul3A_11 : i32
    %scan3A = arith.constant 0 : i32
    %scan3A_13 = arith.constant 400 : i32
    %scan3A_14 = arith.addi %scan3A, %scan3A_13 : i32
    %scan3A_15 = arith.constant 1 : i32
    %scan3A_16 = scf.for %scan3A_123 = %scan3A to %scan3A_14 step %scan3A_15 iter_args(%scan3A_124 = %mul3A_12) -> (i32)  : i32 {
      %add3A_125 = arith.constant 1 : i32
      %add3A_126 = arith.addi %scan3A_123, %add3A_125 : i32
      %get3A_127 = arith.index_cast %add3A_126 : i32 to index
      %get3A_128 = tpu.vector_load %arg5[%get3A_127] {strides = array<i32>} : memref<416xi32, #tpu.memory_space<vmem>>, vector<16xi32>,
      %get3A_129 = vector.shape_cast %get3A_128 : vector<16xi32> to vector<16xi32>
      %slice3A_130 = vector.extract_strided_slice %get3A_129 {offsets = [0], sizes = [1], strides = [1]} : vector<16xi32> to vector<1xi32>
      %squeeze3A_131 = vector.extract %slice3A_130[0] : i32 from vector<1xi32>
      %gt3A_132 = arith.constant 1000 : i32
      %gt3A_133 = arith.cmpi sgt, %squeeze3A_131, %gt3A_132 : i32
      %min3A_134 = arith.constant 10 : i32
      %min3A_135 = arith.minsi %squeeze3A_131, %min3A_134 : i32
      %jit3A_136 = arith.constant 11 : i32
      %select_n3A_137 = arith.select %gt3A_133, %jit3A_136, %min3A_135 : i32
      %mul3A_138 = arith.constant 128 : i32
      %mul3A_139 = arith.muli %select_n3A_137, %mul3A_138 : i32
      %add3A_140 = arith.constant 0 : i32
      %add3A_141 = arith.addi %scan3A_124, %add3A_140 : i32
      %get3A_142 = arith.index_cast %add3A_141 : i32 to index
      %get3A_143 = tpu.vector_load %arg6[%get3A_142] {strides = array<i32>} : memref<1536xf32, #tpu.memory_space<vmem>>, vector<16xf32>,
      %get3A_144 = vector.shape_cast %get3A_143 : vector<16xf32> to vector<16xf32>
      %add3A_145 = arith.constant 16 : i32
      %add3A_146 = arith.addi %scan3A_124, %add3A_145 : i32
      %get3A_147 = arith.index_cast %add3A_146 : i32 to index
      %get3A_148 = tpu.vector_load %arg6[%get3A_147] {strides = array<i32>} : memref<1536xf32, #tpu.memory_space<vmem>>, vector<16xf32>,
      %get3A_149 = vector.shape_cast %get3A_148 : vector<16xf32> to vector<16xf32>
      %add3A_150 = arith.constant 32 : i32
      %add3A_151 = arith.addi %scan3A_124, %add3A_150 : i32
      %get3A_152 = arith.index_cast %add3A_151 : i32 to index
      %get3A_153 = tpu.vector_load %arg6[%get3A_152] {strides = array<i32>} : memref<1536xf32, #tpu.memory_space<vmem>>, vector<16xf32>,
      %get3A_154 = vector.shape_cast %get3A_153 : vector<16xf32> to vector<16xf32>
      %add3A_155 = arith.constant 48 : i32
      %add3A_156 = arith.addi %scan3A_124, %add3A_155 : i32
      %get3A_157 = arith.index_cast %add3A_156 : i32 to index
      %get3A_158 = tpu.vector_load %arg6[%get3A_157] {strides = array<i32>} : memref<1536xf32, #tpu.memory_space<vmem>>, vector<16xf32>,
      %get3A_159 = vector.shape_cast %get3A_158 : vector<16xf32> to vector<16xf32>
      %add3A_160 = arith.constant 64 : i32
      %add3A_161 = arith.addi %scan3A_124, %add3A_160 : i32
      %get3A_162 = arith.index_cast %add3A_161 : i32 to index
      %get3A_163 = tpu.vector_load %arg6[%get3A_162] {strides = array<i32>} : memref<1536xf32, #tpu.memory_space<vmem>>, vector<16xf32>,
      %get3A_164 = vector.shape_cast %get3A_163 : vector<16xf32> to vector<16xf32>
      %add3A_165 = arith.constant 80 : i32
      %add3A_166 = arith.addi %scan3A_124, %add3A_165 : i32
      %get3A_167 = arith.index_cast %add3A_166 : i32 to index
      %get3A_168 = tpu.vector_load %arg6[%get3A_167] {strides = array<i32>} : memref<1536xf32, #tpu.memory_space<vmem>>, vector<16xf32>,
      %get3A_169 = vector.shape_cast %get3A_168 : vector<16xf32> to vector<16xf32>
      %add3A_170 = arith.constant 96 : i32
      %add3A_171 = arith.addi %scan3A_124, %add3A_170 : i32
      %get3A_172 = arith.index_cast %add3A_171 : i32 to index
      %get3A_173 = tpu.vector_load %arg6[%get3A_172] {strides = array<i32>} : memref<1536xf32, #tpu.memory_space<vmem>>, vector<16xf32>,
      %get3A_174 = vector.shape_cast %get3A_173 : vector<16xf32> to vector<16xf32>
      %add3A_175 = arith.constant 112 : i32
      %add3A_176 = arith.addi %scan3A_124, %add3A_175 : i32
      %get3A_177 = arith.index_cast %add3A_176 : i32 to index
      %get3A_178 = tpu.vector_load %arg6[%get3A_177] {strides = array<i32>} : memref<1536xf32, #tpu.memory_space<vmem>>, vector<16xf32>,
      %get3A_179 = vector.shape_cast %get3A_178 : vector<16xf32> to vector<16xf32>
      %swap3A = arith.index_cast %scan3A_123 : i32 to index
      %swap3A_180 = arith.constant 0 : index
      %swap3A_181 = tpu.vector_load %arg7[%swap3A, %swap3A_180] {strides = array<i32>} : memref<400x128xf32, #tpu.memory_space<vmem>>, vector<1x16xf32>,
      %swap3A_182 = vector.shape_cast %swap3A_181 : vector<1x16xf32> to vector<16xf32>
      %swap3A_183 = vector.shape_cast %get3A_144 : vector<16xf32> to vector<1x16xf32>
      tpu.vector_store %arg7[%swap3A, %swap3A_180], %swap3A_183 {strides = array<i32>} : memref<400x128xf32, #tpu.memory_space<vmem>>, vector<1x16xf32>,
      %swap3A_184 = arith.index_cast %scan3A_123 : i32 to index
      %swap3A_185 = arith.constant 16 : index
      %swap3A_186 = tpu.vector_load %arg7[%swap3A_184, %swap3A_185] {strides = array<i32>} : memref<400x128xf32, #tpu.memory_space<vmem>>, vector<1x16xf32>,
      %swap3A_187 = vector.shape_cast %swap3A_186 : vector<1x16xf32> to vector<16xf32>
      %swap3A_188 = vector.shape_cast %get3A_149 : vector<16xf32> to vector<1x16xf32>
      tpu.vector_store %arg7[%swap3A_184, %swap3A_185], %swap3A_188 {strides = array<i32>} : memref<400x128xf32, #tpu.memory_space<vmem>>, vector<1x16xf32>,
      %swap3A_189 = arith.index_cast %scan3A_123 : i32 to index
      %swap3A_190 = arith.constant 32 : index
      %swap3A_191 = tpu.vector_load %arg7[%swap3A_189, %swap3A_190] {strides = array<i32>} : memref<400x128xf32, #tpu.memory_space<vmem>>, vector<1x16xf32>,
      %swap3A_192 = vector.shape_cast %swap3A_191 : vector<1x16xf32> to vector<16xf32>
      %swap3A_193 = vector.shape_cast %get3A_154 : vector<16xf32> to vector<1x16xf32>
      tpu.vector_store %arg7[%swap3A_189, %swap3A_190], %swap3A_193 {strides = array<i32>} : memref<400x128xf32, #tpu.memory_space<vmem>>, vector<1x16xf32>,
      %swap3A_194 = arith.index_cast %scan3A_123 : i32 to index
      %swap3A_195 = arith.constant 48 : index
      %swap3A_196 = tpu.vector_load %arg7[%swap3A_194, %swap3A_195] {strides = array<i32>} : memref<400x128xf32, #tpu.memory_space<vmem>>, vector<1x16xf32>,
      %swap3A_197 = vector.shape_cast %swap3A_196 : vector<1x16xf32> to vector<16xf32>
      %swap3A_198 = vector.shape_cast %get3A_159 : vector<16xf32> to vector<1x16xf32>
      tpu.vector_store %arg7[%swap3A_194, %swap3A_195], %swap3A_198 {strides = array<i32>} : memref<400x128xf32, #tpu.memory_space<vmem>>, vector<1x16xf32>,
      %swap3A_199 = arith.index_cast %scan3A_123 : i32 to index
      %swap3A_200 = arith.constant 64 : index
      %swap3A_201 = tpu.vector_load %arg7[%swap3A_199, %swap3A_200] {strides = array<i32>} : memref<400x128xf32, #tpu.memory_space<vmem>>, vector<1x16xf32>,
      %swap3A_202 = vector.shape_cast %swap3A_201 : vector<1x16xf32> to vector<16xf32>
      %swap3A_203 = vector.shape_cast %get3A_164 : vector<16xf32> to vector<1x16xf32>
      tpu.vector_store %arg7[%swap3A_199, %swap3A_200], %swap3A_203 {strides = array<i32>} : memref<400x128xf32, #tpu.memory_space<vmem>>, vector<1x16xf32>,
      %swap3A_204 = arith.index_cast %scan3A_123 : i32 to index
      %swap3A_205 = arith.constant 80 : index
      %swap3A_206 = tpu.vector_load %arg7[%swap3A_204, %swap3A_205] {strides = array<i32>} : memref<400x128xf32, #tpu.memory_space<vmem>>, vector<1x16xf32>,
      %swap3A_207 = vector.shape_cast %swap3A_206 : vector<1x16xf32> to vector<16xf32>
      %swap3A_208 = vector.shape_cast %get3A_169 : vector<16xf32> to vector<1x16xf32>
      tpu.vector_store %arg7[%swap3A_204, %swap3A_205], %swap3A_208 {strides = array<i32>} : memref<400x128xf32, #tpu.memory_space<vmem>>, vector<1x16xf32>,
      %swap3A_209 = arith.index_cast %scan3A_123 : i32 to index
      %swap3A_210 = arith.constant 96 : index
      %swap3A_211 = tpu.vector_load %arg7[%swap3A_209, %swap3A_210] {strides = array<i32>} : memref<400x128xf32, #tpu.memory_space<vmem>>, vector<1x16xf32>,
      %swap3A_212 = vector.shape_cast %swap3A_211 : vector<1x16xf32> to vector<16xf32>
      %swap3A_213 = vector.shape_cast %get3A_174 : vector<16xf32> to vector<1x16xf32>
      tpu.vector_store %arg7[%swap3A_209, %swap3A_210], %swap3A_213 {strides = array<i32>} : memref<400x128xf32, #tpu.memory_space<vmem>>, vector<1x16xf32>,
      %swap3A_214 = arith.index_cast %scan3A_123 : i32 to index
      %swap3A_215 = arith.constant 112 : index
      %swap3A_216 = tpu.vector_load %arg7[%swap3A_214, %swap3A_215] {strides = array<i32>} : memref<400x128xf32, #tpu.memory_space<vmem>>, vector<1x16xf32>,
      %swap3A_217 = vector.shape_cast %swap3A_216 : vector<1x16xf32> to vector<16xf32>
      %swap3A_218 = vector.shape_cast %get3A_179 : vector<16xf32> to vector<1x16xf32>
      tpu.vector_store %arg7[%swap3A_214, %swap3A_215], %swap3A_218 {strides = array<i32>} : memref<400x128xf32, #tpu.memory_space<vmem>>, vector<1x16xf32>,
      scf.yield %mul3A_139 : i32
    }
    %scan3A_17 = arith.constant 400 : i32
    %dma_start3A = arith.constant 0 : i32
    %dma_start3A_18 = tpu.memref_slice %arg4[%mul3A_5, %dma_start3A] : memref<50000x128xf32, #tpu.memory_space<hbm>> -> memref<400x128xf32, #tpu.memory_space<hbm>>
    %dma_start3A_19 = arith.constant 0 : i32
    %dma_start3A_20 = tpu.memref_slice %arg4[%mul3A_5, %dma_start3A_19] : memref<50000x128xf32, #tpu.memory_space<hbm>> -> memref<400x128xf32, #tpu.memory_space<hbm>>
    tpu.enqueue_dma source(%arg7 : memref<400x128xf32, #tpu.memory_space<vmem>>) target(%dma_start3A_20 : memref<400x128xf32, #tpu.memory_space<hbm>>) target_semaphore(%arg9 : memref<!tpu.dma_semaphore, #tpu.memory_space<semaphore_mem>>)
    %add3A_21 = arith.constant 32 : i32
    %add3A_22 = arith.addi %add3A, %add3A_21 : i32
    %min3A_23 = arith.constant 124 : i32
    %min3A_24 = arith.minsi %add3A_22, %min3A_23 : i32
    %mul3A_25 = arith.constant 400 : i32
    %mul3A_26 = arith.muli %min3A_24, %mul3A_25 : i32
    "tpu.region"() ({
      %run_scoped3A = tpu.sem_alloc : memref<!tpu.dma_semaphore, #tpu.memory_space<semaphore_mem>>
      %dma_start3A_123 = arith.constant 0 : i32
      %dma_start3A_124 = tpu.memref_slice %arg5[%dma_start3A_123] : memref<416xi32, #tpu.memory_space<vmem>> -> memref<400xi32, #tpu.memory_space<vmem>>
      %dma_start3A_125 = tpu.memref_slice %arg2[%mul3A_26] : memref<50000xi32, #tpu.memory_space<hbm>> -> memref<400xi32, #tpu.memory_space<hbm>>
      %dma_start3A_126 = arith.constant 0 : i32
      %dma_start3A_127 = tpu.memref_slice %arg5[%dma_start3A_126] : memref<416xi32, #tpu.memory_space<vmem>> -> memref<400xi32, #tpu.memory_space<vmem>>
      %dma_start3A_128 = tpu.memref_slice %arg2[%mul3A_26] : memref<50000xi32, #tpu.memory_space<hbm>> -> memref<400xi32, #tpu.memory_space<hbm>>
      tpu.enqueue_dma source(%dma_start3A_128 : memref<400xi32, #tpu.memory_space<hbm>>) target(%dma_start3A_127 : memref<400xi32, #tpu.memory_space<vmem>>) target_semaphore(%run_scoped3A : memref<!tpu.dma_semaphore, #tpu.memory_space<semaphore_mem>>)
      %dma_wait3A_129 = arith.constant 0 : i32
      %dma_wait3A_130 = tpu.memref_slice %arg5[%dma_wait3A_129] : memref<416xi32, #tpu.memory_space<vmem>> -> memref<400xi32, #tpu.memory_space<vmem>>
      %dma_wait3A_131 = tpu.memref_slice %arg2[%mul3A_26] : memref<50000xi32, #tpu.memory_space<hbm>> -> memref<400xi32, #tpu.memory_space<hbm>>
      %dma_wait3A_132 = arith.constant 0 : i32
      %dma_wait3A_133 = tpu.memref_slice %arg5[%dma_wait3A_132] : memref<416xi32, #tpu.memory_space<vmem>> -> memref<400xi32, #tpu.memory_space<vmem>>
      %dma_wait3A_134 = tpu.memref_slice %arg2[%mul3A_26] : memref<50000xi32, #tpu.memory_space<hbm>> -> memref<400xi32, #tpu.memory_space<hbm>>
      tpu.wait_dma2 semaphore(%run_scoped3A : memref<!tpu.dma_semaphore, #tpu.memory_space<semaphore_mem>>) src(%dma_wait3A_134 : memref<400xi32, #tpu.memory_space<hbm>>) dst(%dma_wait3A_133 : memref<400xi32, #tpu.memory_space<vmem>>)
      tpu.yield
    }) : () -> ()
    %get3A_27 = arith.constant 0 : index
    %get3A_28 = tpu.vector_load %arg5[%get3A_27] {strides = array<i32>} : memref<416xi32, #tpu.memory_space<vmem>>, vector<16xi32>,
    %get3A_29 = vector.shape_cast %get3A_28 : vector<16xi32> to vector<16xi32>
    %slice3A_30 = vector.extract_strided_slice %get3A_29 {offsets = [0], sizes = [1], strides = [1]} : vector<16xi32> to vector<1xi32>
    %squeeze3A_31 = vector.extract %slice3A_30[0] : i32 from vector<1xi32>
    %gt3A_32 = arith.constant 1000 : i32
    %gt3A_33 = arith.cmpi sgt, %squeeze3A_31, %gt3A_32 : i32
    %min3A_34 = arith.constant 10 : i32
    %min3A_35 = arith.minsi %squeeze3A_31, %min3A_34 : i32
    %jit3A_36 = arith.constant 11 : i32
    %select_n3A_37 = arith.select %gt3A_33, %jit3A_36, %min3A_35 : i32
    %mul3A_38 = arith.constant 128 : i32
    %mul3A_39 = arith.muli %select_n3A_37, %mul3A_38 : i32
    %scan3A_40 = arith.constant 0 : i32
    %scan3A_41 = arith.constant 400 : i32
    %scan3A_42 = arith.addi %scan3A_40, %scan3A_41 : i32
    %scan3A_43 = arith.constant 1 : i32
    %scan3A_44 = scf.for %scan3A_123 = %scan3A_40 to %scan3A_42 step %scan3A_43 iter_args(%scan3A_124 = %mul3A_39) -> (i32)  : i32 {
      %add3A_125 = arith.constant 1 : i32
      %add3A_126 = arith.addi %scan3A_123, %add3A_125 : i32
      %get3A_127 = arith.index_cast %add3A_126 : i32 to index
      %get3A_128 = tpu.vector_load %arg5[%get3A_127] {strides = array<i32>} : memref<416xi32, #tpu.memory_space<vmem>>, vector<16xi32>,
      %get3A_129 = vector.shape_cast %get3A_128 : vector<16xi32> to vector<16xi32>
      %slice3A_130 = vector.extract_strided_slice %get3A_129 {offsets = [0], sizes = [1], strides = [1]} : vector<16xi32> to vector<1xi32>
      %squeeze3A_131 = vector.extract %slice3A_130[0] : i32 from vector<1xi32>
      %gt3A_132 = arith.constant 1000 : i32
      %gt3A_133 = arith.cmpi sgt, %squeeze3A_131, %gt3A_132 : i32
      %min3A_134 = arith.constant 10 : i32
      %min3A_135 = arith.minsi %squeeze3A_131, %min3A_134 : i32
      %jit3A_136 = arith.constant 11 : i32
      %select_n3A_137 = arith.select %gt3A_133, %jit3A_136, %min3A_135 : i32
      %mul3A_138 = arith.constant 128 : i32
      %mul3A_139 = arith.muli %select_n3A_137, %mul3A_138 : i32
      %add3A_140 = arith.constant 0 : i32
      %add3A_141 = arith.addi %scan3A_124, %add3A_140 : i32
      %get3A_142 = arith.index_cast %add3A_141 : i32 to index
      %get3A_143 = tpu.vector_load %arg6[%get3A_142] {strides = array<i32>} : memref<1536xf32, #tpu.memory_space<vmem>>, vector<16xf32>,
      %get3A_144 = vector.shape_cast %get3A_143 : vector<16xf32> to vector<16xf32>
      %add3A_145 = arith.constant 16 : i32
      %add3A_146 = arith.addi %scan3A_124, %add3A_145 : i32
      %get3A_147 = arith.index_cast %add3A_146 : i32 to index
      %get3A_148 = tpu.vector_load %arg6[%get3A_147] {strides = array<i32>} : memref<1536xf32, #tpu.memory_space<vmem>>, vector<16xf32>,
      %get3A_149 = vector.shape_cast %get3A_148 : vector<16xf32> to vector<16xf32>
      %add3A_150 = arith.constant 32 : i32
      %add3A_151 = arith.addi %scan3A_124, %add3A_150 : i32
      %get3A_152 = arith.index_cast %add3A_151 : i32 to index
      %get3A_153 = tpu.vector_load %arg6[%get3A_152] {strides = array<i32>} : memref<1536xf32, #tpu.memory_space<vmem>>, vector<16xf32>,
      %get3A_154 = vector.shape_cast %get3A_153 : vector<16xf32> to vector<16xf32>
      %add3A_155 = arith.constant 48 : i32
      %add3A_156 = arith.addi %scan3A_124, %add3A_155 : i32
      %get3A_157 = arith.index_cast %add3A_156 : i32 to index
      %get3A_158 = tpu.vector_load %arg6[%get3A_157] {strides = array<i32>} : memref<1536xf32, #tpu.memory_space<vmem>>, vector<16xf32>,
      %get3A_159 = vector.shape_cast %get3A_158 : vector<16xf32> to vector<16xf32>
      %add3A_160 = arith.constant 64 : i32
      %add3A_161 = arith.addi %scan3A_124, %add3A_160 : i32
      %get3A_162 = arith.index_cast %add3A_161 : i32 to index
      %get3A_163 = tpu.vector_load %arg6[%get3A_162] {strides = array<i32>} : memref<1536xf32, #tpu.memory_space<vmem>>, vector<16xf32>,
      %get3A_164 = vector.shape_cast %get3A_163 : vector<16xf32> to vector<16xf32>
      %add3A_165 = arith.constant 80 : i32
      %add3A_166 = arith.addi %scan3A_124, %add3A_165 : i32
      %get3A_167 = arith.index_cast %add3A_166 : i32 to index
      %get3A_168 = tpu.vector_load %arg6[%get3A_167] {strides = array<i32>} : memref<1536xf32, #tpu.memory_space<vmem>>, vector<16xf32>,
      %get3A_169 = vector.shape_cast %get3A_168 : vector<16xf32> to vector<16xf32>
      %add3A_170 = arith.constant 96 : i32
      %add3A_171 = arith.addi %scan3A_124, %add3A_170 : i32
      %get3A_172 = arith.index_cast %add3A_171 : i32 to index
      %get3A_173 = tpu.vector_load %arg6[%get3A_172] {strides = array<i32>} : memref<1536xf32, #tpu.memory_space<vmem>>, vector<16xf32>,
      %get3A_174 = vector.shape_cast %get3A_173 : vector<16xf32> to vector<16xf32>
      %add3A_175 = arith.constant 112 : i32
      %add3A_176 = arith.addi %scan3A_124, %add3A_175 : i32
      %get3A_177 = arith.index_cast %add3A_176 : i32 to index
      %get3A_178 = tpu.vector_load %arg6[%get3A_177] {strides = array<i32>} : memref<1536xf32, #tpu.memory_space<vmem>>, vector<16xf32>,
      %get3A_179 = vector.shape_cast %get3A_178 : vector<16xf32> to vector<16xf32>
      %swap3A = arith.index_cast %scan3A_123 : i32 to index
      %swap3A_180 = arith.constant 0 : index
      %swap3A_181 = tpu.vector_load %arg8[%swap3A, %swap3A_180] {strides = array<i32>} : memref<400x128xf32, #tpu.memory_space<vmem>>, vector<1x16xf32>,
      %swap3A_182 = vector.shape_cast %swap3A_181 : vector<1x16xf32> to vector<16xf32>
      %swap3A_183 = vector.shape_cast %get3A_144 : vector<16xf32> to vector<1x16xf32>
      tpu.vector_store %arg8[%swap3A, %swap3A_180], %swap3A_183 {strides = array<i32>} : memref<400x128xf32, #tpu.memory_space<vmem>>, vector<1x16xf32>,
      %swap3A_184 = arith.index_cast %scan3A_123 : i32 to index
      %swap3A_185 = arith.constant 16 : index
      %swap3A_186 = tpu.vector_load %arg8[%swap3A_184, %swap3A_185] {strides = array<i32>} : memref<400x128xf32, #tpu.memory_space<vmem>>, vector<1x16xf32>,
      %swap3A_187 = vector.shape_cast %swap3A_186 : vector<1x16xf32> to vector<16xf32>
      %swap3A_188 = vector.shape_cast %get3A_149 : vector<16xf32> to vector<1x16xf32>
      tpu.vector_store %arg8[%swap3A_184, %swap3A_185], %swap3A_188 {strides = array<i32>} : memref<400x128xf32, #tpu.memory_space<vmem>>, vector<1x16xf32>,
      %swap3A_189 = arith.index_cast %scan3A_123 : i32 to index
      %swap3A_190 = arith.constant 32 : index
      %swap3A_191 = tpu.vector_load %arg8[%swap3A_189, %swap3A_190] {strides = array<i32>} : memref<400x128xf32, #tpu.memory_space<vmem>>, vector<1x16xf32>,
      %swap3A_192 = vector.shape_cast %swap3A_191 : vector<1x16xf32> to vector<16xf32>
      %swap3A_193 = vector.shape_cast %get3A_154 : vector<16xf32> to vector<1x16xf32>
      tpu.vector_store %arg8[%swap3A_189, %swap3A_190], %swap3A_193 {strides = array<i32>} : memref<400x128xf32, #tpu.memory_space<vmem>>, vector<1x16xf32>,
      %swap3A_194 = arith.index_cast %scan3A_123 : i32 to index
      %swap3A_195 = arith.constant 48 : index
      %swap3A_196 = tpu.vector_load %arg8[%swap3A_194, %swap3A_195] {strides = array<i32>} : memref<400x128xf32, #tpu.memory_space<vmem>>, vector<1x16xf32>,
      %swap3A_197 = vector.shape_cast %swap3A_196 : vector<1x16xf32> to vector<16xf32>
      %swap3A_198 = vector.shape_cast %get3A_159 : vector<16xf32> to vector<1x16xf32>
      tpu.vector_store %arg8[%swap3A_194, %swap3A_195], %swap3A_198 {strides = array<i32>} : memref<400x128xf32, #tpu.memory_space<vmem>>, vector<1x16xf32>,
      %swap3A_199 = arith.index_cast %scan3A_123 : i32 to index
      %swap3A_200 = arith.constant 64 : index
      %swap3A_201 = tpu.vector_load %arg8[%swap3A_199, %swap3A_200] {strides = array<i32>} : memref<400x128xf32, #tpu.memory_space<vmem>>, vector<1x16xf32>,
      %swap3A_202 = vector.shape_cast %swap3A_201 : vector<1x16xf32> to vector<16xf32>
      %swap3A_203 = vector.shape_cast %get3A_164 : vector<16xf32> to vector<1x16xf32>
      tpu.vector_store %arg8[%swap3A_199, %swap3A_200], %swap3A_203 {strides = array<i32>} : memref<400x128xf32, #tpu.memory_space<vmem>>, vector<1x16xf32>,
      %swap3A_204 = arith.index_cast %scan3A_123 : i32 to index
      %swap3A_205 = arith.constant 80 : index
      %swap3A_206 = tpu.vector_load %arg8[%swap3A_204, %swap3A_205] {strides = array<i32>} : memref<400x128xf32, #tpu.memory_space<vmem>>, vector<1x16xf32>,
      %swap3A_207 = vector.shape_cast %swap3A_206 : vector<1x16xf32> to vector<16xf32>
      %swap3A_208 = vector.shape_cast %get3A_169 : vector<16xf32> to vector<1x16xf32>
      tpu.vector_store %arg8[%swap3A_204, %swap3A_205], %swap3A_208 {strides = array<i32>} : memref<400x128xf32, #tpu.memory_space<vmem>>, vector<1x16xf32>,
      %swap3A_209 = arith.index_cast %scan3A_123 : i32 to index
      %swap3A_210 = arith.constant 96 : index
      %swap3A_211 = tpu.vector_load %arg8[%swap3A_209, %swap3A_210] {strides = array<i32>} : memref<400x128xf32, #tpu.memory_space<vmem>>, vector<1x16xf32>,
      %swap3A_212 = vector.shape_cast %swap3A_211 : vector<1x16xf32> to vector<16xf32>
      %swap3A_213 = vector.shape_cast %get3A_174 : vector<16xf32> to vector<1x16xf32>
      tpu.vector_store %arg8[%swap3A_209, %swap3A_210], %swap3A_213 {strides = array<i32>} : memref<400x128xf32, #tpu.memory_space<vmem>>, vector<1x16xf32>,
      %swap3A_214 = arith.index_cast %scan3A_123 : i32 to index
      %swap3A_215 = arith.constant 112 : index
      %swap3A_216 = tpu.vector_load %arg8[%swap3A_214, %swap3A_215] {strides = array<i32>} : memref<400x128xf32, #tpu.memory_space<vmem>>, vector<1x16xf32>,
      %swap3A_217 = vector.shape_cast %swap3A_216 : vector<1x16xf32> to vector<16xf32>
      %swap3A_218 = vector.shape_cast %get3A_179 : vector<16xf32> to vector<1x16xf32>
      tpu.vector_store %arg8[%swap3A_214, %swap3A_215], %swap3A_218 {strides = array<i32>} : memref<400x128xf32, #tpu.memory_space<vmem>>, vector<1x16xf32>,
      scf.yield %mul3A_139 : i32
    }
    %scan3A_45 = arith.constant 400 : i32
    %dma_start3A_46 = arith.constant 0 : i32
    %dma_start3A_47 = tpu.memref_slice %arg4[%mul3A_26, %dma_start3A_46] : memref<50000x128xf32, #tpu.memory_space<hbm>> -> memref<400x128xf32, #tpu.memory_space<hbm>>
    %dma_start3A_48 = arith.constant 0 : i32
    %dma_start3A_49 = tpu.memref_slice %arg4[%mul3A_26, %dma_start3A_48] : memref<50000x128xf32, #tpu.memory_space<hbm>> -> memref<400x128xf32, #tpu.memory_space<hbm>>
    tpu.enqueue_dma source(%arg8 : memref<400x128xf32, #tpu.memory_space<vmem>>) target(%dma_start3A_49 : memref<400x128xf32, #tpu.memory_space<hbm>>) target_semaphore(%arg10 : memref<!tpu.dma_semaphore, #tpu.memory_space<semaphore_mem>>)
    %add3A_50 = arith.constant 64 : i32
    %add3A_51 = arith.addi %add3A, %add3A_50 : i32
    %min3A_52 = arith.constant 124 : i32
    %min3A_53 = arith.minsi %add3A_51, %min3A_52 : i32
    %mul3A_54 = arith.constant 400 : i32
    %mul3A_55 = arith.muli %min3A_53, %mul3A_54 : i32
    "tpu.region"() ({
      %run_scoped3A = tpu.sem_alloc : memref<!tpu.dma_semaphore, #tpu.memory_space<semaphore_mem>>
      %dma_start3A_123 = arith.constant 0 : i32
      %dma_start3A_124 = tpu.memref_slice %arg5[%dma_start3A_123] : memref<416xi32, #tpu.memory_space<vmem>> -> memref<400xi32, #tpu.memory_space<vmem>>
      %dma_start3A_125 = tpu.memref_slice %arg2[%mul3A_55] : memref<50000xi32, #tpu.memory_space<hbm>> -> memref<400xi32, #tpu.memory_space<hbm>>
      %dma_start3A_126 = arith.constant 0 : i32
      %dma_start3A_127 = tpu.memref_slice %arg5[%dma_start3A_126] : memref<416xi32, #tpu.memory_space<vmem>> -> memref<400xi32, #tpu.memory_space<vmem>>
      %dma_start3A_128 = tpu.memref_slice %arg2[%mul3A_55] : memref<50000xi32, #tpu.memory_space<hbm>> -> memref<400xi32, #tpu.memory_space<hbm>>
      tpu.enqueue_dma source(%dma_start3A_128 : memref<400xi32, #tpu.memory_space<hbm>>) target(%dma_start3A_127 : memref<400xi32, #tpu.memory_space<vmem>>) target_semaphore(%run_scoped3A : memref<!tpu.dma_semaphore, #tpu.memory_space<semaphore_mem>>)
      %dma_wait3A_129 = arith.constant 0 : i32
      %dma_wait3A_130 = tpu.memref_slice %arg5[%dma_wait3A_129] : memref<416xi32, #tpu.memory_space<vmem>> -> memref<400xi32, #tpu.memory_space<vmem>>
      %dma_wait3A_131 = tpu.memref_slice %arg2[%mul3A_55] : memref<50000xi32, #tpu.memory_space<hbm>> -> memref<400xi32, #tpu.memory_space<hbm>>
      %dma_wait3A_132 = arith.constant 0 : i32
      %dma_wait3A_133 = tpu.memref_slice %arg5[%dma_wait3A_132] : memref<416xi32, #tpu.memory_space<vmem>> -> memref<400xi32, #tpu.memory_space<vmem>>
      %dma_wait3A_134 = tpu.memref_slice %arg2[%mul3A_55] : memref<50000xi32, #tpu.memory_space<hbm>> -> memref<400xi32, #tpu.memory_space<hbm>>
      tpu.wait_dma2 semaphore(%run_scoped3A : memref<!tpu.dma_semaphore, #tpu.memory_space<semaphore_mem>>) src(%dma_wait3A_134 : memref<400xi32, #tpu.memory_space<hbm>>) dst(%dma_wait3A_133 : memref<400xi32, #tpu.memory_space<vmem>>)
      tpu.yield
    }) : () -> ()
    %dma_wait3A = arith.constant 0 : i32
    %dma_wait3A_56 = tpu.memref_slice %arg4[%mul3A_5, %dma_wait3A] : memref<50000x128xf32, #tpu.memory_space<hbm>> -> memref<400x128xf32, #tpu.memory_space<hbm>>
    %dma_wait3A_57 = arith.constant 0 : i32
    %dma_wait3A_58 = tpu.memref_slice %arg4[%mul3A_5, %dma_wait3A_57] : memref<50000x128xf32, #tpu.memory_space<hbm>> -> memref<400x128xf32, #tpu.memory_space<hbm>>
    tpu.wait_dma2 semaphore(%arg9 : memref<!tpu.dma_semaphore, #tpu.memory_space<semaphore_mem>>) src(%arg7 : memref<400x128xf32, #tpu.memory_space<vmem>>) dst(%dma_wait3A_58 : memref<400x128xf32, #tpu.memory_space<hbm>>)
    %get3A_59 = arith.constant 0 : index
    %get3A_60 = tpu.vector_load %arg5[%get3A_59] {strides = array<i32>} : memref<416xi32, #tpu.memory_space<vmem>>, vector<16xi32>,
    %get3A_61 = vector.shape_cast %get3A_60 : vector<16xi32> to vector<16xi32>
    %slice3A_62 = vector.extract_strided_slice %get3A_61 {offsets = [0], sizes = [1], strides = [1]} : vector<16xi32> to vector<1xi32>
    %squeeze3A_63 = vector.extract %slice3A_62[0] : i32 from vector<1xi32>
    %gt3A_64 = arith.constant 1000 : i32
    %gt3A_65 = arith.cmpi sgt, %squeeze3A_63, %gt3A_64 : i32
    %min3A_66 = arith.constant 10 : i32
    %min3A_67 = arith.minsi %squeeze3A_63, %min3A_66 : i32
    %jit3A_68 = arith.constant 11 : i32
    %select_n3A_69 = arith.select %gt3A_65, %jit3A_68, %min3A_67 : i32
    %mul3A_70 = arith.constant 128 : i32
    %mul3A_71 = arith.muli %select_n3A_69, %mul3A_70 : i32
    %scan3A_72 = arith.constant 0 : i32
    %scan3A_73 = arith.constant 400 : i32
    %scan3A_74 = arith.addi %scan3A_72, %scan3A_73 : i32
    %scan3A_75 = arith.constant 1 : i32
    %scan3A_76 = scf.for %scan3A_123 = %scan3A_72 to %scan3A_74 step %scan3A_75 iter_args(%scan3A_124 = %mul3A_71) -> (i32)  : i32 {
      %add3A_125 = arith.constant 1 : i32
      %add3A_126 = arith.addi %scan3A_123, %add3A_125 : i32
      %get3A_127 = arith.index_cast %add3A_126 : i32 to index
      %get3A_128 = tpu.vector_load %arg5[%get3A_127] {strides = array<i32>} : memref<416xi32, #tpu.memory_space<vmem>>, vector<16xi32>,
      %get3A_129 = vector.shape_cast %get3A_128 : vector<16xi32> to vector<16xi32>
      %slice3A_130 = vector.extract_strided_slice %get3A_129 {offsets = [0], sizes = [1], strides = [1]} : vector<16xi32> to vector<1xi32>
      %squeeze3A_131 = vector.extract %slice3A_130[0] : i32 from vector<1xi32>
      %gt3A_132 = arith.constant 1000 : i32
      %gt3A_133 = arith.cmpi sgt, %squeeze3A_131, %gt3A_132 : i32
      %min3A_134 = arith.constant 10 : i32
      %min3A_135 = arith.minsi %squeeze3A_131, %min3A_134 : i32
      %jit3A_136 = arith.constant 11 : i32
      %select_n3A_137 = arith.select %gt3A_133, %jit3A_136, %min3A_135 : i32
      %mul3A_138 = arith.constant 128 : i32
      %mul3A_139 = arith.muli %select_n3A_137, %mul3A_138 : i32
      %add3A_140 = arith.constant 0 : i32
      %add3A_141 = arith.addi %scan3A_124, %add3A_140 : i32
      %get3A_142 = arith.index_cast %add3A_141 : i32 to index
      %get3A_143 = tpu.vector_load %arg6[%get3A_142] {strides = array<i32>} : memref<1536xf32, #tpu.memory_space<vmem>>, vector<16xf32>,
      %get3A_144 = vector.shape_cast %get3A_143 : vector<16xf32> to vector<16xf32>
      %add3A_145 = arith.constant 16 : i32
      %add3A_146 = arith.addi %scan3A_124, %add3A_145 : i32
      %get3A_147 = arith.index_cast %add3A_146 : i32 to index
      %get3A_148 = tpu.vector_load %arg6[%get3A_147] {strides = array<i32>} : memref<1536xf32, #tpu.memory_space<vmem>>, vector<16xf32>,
      %get3A_149 = vector.shape_cast %get3A_148 : vector<16xf32> to vector<16xf32>
      %add3A_150 = arith.constant 32 : i32
      %add3A_151 = arith.addi %scan3A_124, %add3A_150 : i32
      %get3A_152 = arith.index_cast %add3A_151 : i32 to index
      %get3A_153 = tpu.vector_load %arg6[%get3A_152] {strides = array<i32>} : memref<1536xf32, #tpu.memory_space<vmem>>, vector<16xf32>,
      %get3A_154 = vector.shape_cast %get3A_153 : vector<16xf32> to vector<16xf32>
      %add3A_155 = arith.constant 48 : i32
      %add3A_156 = arith.addi %scan3A_124, %add3A_155 : i32
      %get3A_157 = arith.index_cast %add3A_156 : i32 to index
      %get3A_158 = tpu.vector_load %arg6[%get3A_157] {strides = array<i32>} : memref<1536xf32, #tpu.memory_space<vmem>>, vector<16xf32>,
      %get3A_159 = vector.shape_cast %get3A_158 : vector<16xf32> to vector<16xf32>
      %add3A_160 = arith.constant 64 : i32
      %add3A_161 = arith.addi %scan3A_124, %add3A_160 : i32
      %get3A_162 = arith.index_cast %add3A_161 : i32 to index
      %get3A_163 = tpu.vector_load %arg6[%get3A_162] {strides = array<i32>} : memref<1536xf32, #tpu.memory_space<vmem>>, vector<16xf32>,
      %get3A_164 = vector.shape_cast %get3A_163 : vector<16xf32> to vector<16xf32>
      %add3A_165 = arith.constant 80 : i32
      %add3A_166 = arith.addi %scan3A_124, %add3A_165 : i32
      %get3A_167 = arith.index_cast %add3A_166 : i32 to index
      %get3A_168 = tpu.vector_load %arg6[%get3A_167] {strides = array<i32>} : memref<1536xf32, #tpu.memory_space<vmem>>, vector<16xf32>,
      %get3A_169 = vector.shape_cast %get3A_168 : vector<16xf32> to vector<16xf32>
      %add3A_170 = arith.constant 96 : i32
      %add3A_171 = arith.addi %scan3A_124, %add3A_170 : i32
      %get3A_172 = arith.index_cast %add3A_171 : i32 to index
      %get3A_173 = tpu.vector_load %arg6[%get3A_172] {strides = array<i32>} : memref<1536xf32, #tpu.memory_space<vmem>>, vector<16xf32>,
      %get3A_174 = vector.shape_cast %get3A_173 : vector<16xf32> to vector<16xf32>
      %add3A_175 = arith.constant 112 : i32
      %add3A_176 = arith.addi %scan3A_124, %add3A_175 : i32
      %get3A_177 = arith.index_cast %add3A_176 : i32 to index
      %get3A_178 = tpu.vector_load %arg6[%get3A_177] {strides = array<i32>} : memref<1536xf32, #tpu.memory_space<vmem>>, vector<16xf32>,
      %get3A_179 = vector.shape_cast %get3A_178 : vector<16xf32> to vector<16xf32>
      %swap3A = arith.index_cast %scan3A_123 : i32 to index
      %swap3A_180 = arith.constant 0 : index
      %swap3A_181 = tpu.vector_load %arg7[%swap3A, %swap3A_180] {strides = array<i32>} : memref<400x128xf32, #tpu.memory_space<vmem>>, vector<1x16xf32>,
      %swap3A_182 = vector.shape_cast %swap3A_181 : vector<1x16xf32> to vector<16xf32>
      %swap3A_183 = vector.shape_cast %get3A_144 : vector<16xf32> to vector<1x16xf32>
      tpu.vector_store %arg7[%swap3A, %swap3A_180], %swap3A_183 {strides = array<i32>} : memref<400x128xf32, #tpu.memory_space<vmem>>, vector<1x16xf32>,
      %swap3A_184 = arith.index_cast %scan3A_123 : i32 to index
      %swap3A_185 = arith.constant 16 : index
      %swap3A_186 = tpu.vector_load %arg7[%swap3A_184, %swap3A_185] {strides = array<i32>} : memref<400x128xf32, #tpu.memory_space<vmem>>, vector<1x16xf32>,
      %swap3A_187 = vector.shape_cast %swap3A_186 : vector<1x16xf32> to vector<16xf32>
      %swap3A_188 = vector.shape_cast %get3A_149 : vector<16xf32> to vector<1x16xf32>
      tpu.vector_store %arg7[%swap3A_184, %swap3A_185], %swap3A_188 {strides = array<i32>} : memref<400x128xf32, #tpu.memory_space<vmem>>, vector<1x16xf32>,
      %swap3A_189 = arith.index_cast %scan3A_123 : i32 to index
      %swap3A_190 = arith.constant 32 : index
      %swap3A_191 = tpu.vector_load %arg7[%swap3A_189, %swap3A_190] {strides = array<i32>} : memref<400x128xf32, #tpu.memory_space<vmem>>, vector<1x16xf32>,
      %swap3A_192 = vector.shape_cast %swap3A_191 : vector<1x16xf32> to vector<16xf32>
      %swap3A_193 = vector.shape_cast %get3A_154 : vector<16xf32> to vector<1x16xf32>
      tpu.vector_store %arg7[%swap3A_189, %swap3A_190], %swap3A_193 {strides = array<i32>} : memref<400x128xf32, #tpu.memory_space<vmem>>, vector<1x16xf32>,
      %swap3A_194 = arith.index_cast %scan3A_123 : i32 to index
      %swap3A_195 = arith.constant 48 : index
      %swap3A_196 = tpu.vector_load %arg7[%swap3A_194, %swap3A_195] {strides = array<i32>} : memref<400x128xf32, #tpu.memory_space<vmem>>, vector<1x16xf32>,
      %swap3A_197 = vector.shape_cast %swap3A_196 : vector<1x16xf32> to vector<16xf32>
      %swap3A_198 = vector.shape_cast %get3A_159 : vector<16xf32> to vector<1x16xf32>
      tpu.vector_store %arg7[%swap3A_194, %swap3A_195], %swap3A_198 {strides = array<i32>} : memref<400x128xf32, #tpu.memory_space<vmem>>, vector<1x16xf32>,
      %swap3A_199 = arith.index_cast %scan3A_123 : i32 to index
      %swap3A_200 = arith.constant 64 : index
      %swap3A_201 = tpu.vector_load %arg7[%swap3A_199, %swap3A_200] {strides = array<i32>} : memref<400x128xf32, #tpu.memory_space<vmem>>, vector<1x16xf32>,
      %swap3A_202 = vector.shape_cast %swap3A_201 : vector<1x16xf32> to vector<16xf32>
      %swap3A_203 = vector.shape_cast %get3A_164 : vector<16xf32> to vector<1x16xf32>
      tpu.vector_store %arg7[%swap3A_199, %swap3A_200], %swap3A_203 {strides = array<i32>} : memref<400x128xf32, #tpu.memory_space<vmem>>, vector<1x16xf32>,
      %swap3A_204 = arith.index_cast %scan3A_123 : i32 to index
      %swap3A_205 = arith.constant 80 : index
      %swap3A_206 = tpu.vector_load %arg7[%swap3A_204, %swap3A_205] {strides = array<i32>} : memref<400x128xf32, #tpu.memory_space<vmem>>, vector<1x16xf32>,
      %swap3A_207 = vector.shape_cast %swap3A_206 : vector<1x16xf32> to vector<16xf32>
      %swap3A_208 = vector.shape_cast %get3A_169 : vector<16xf32> to vector<1x16xf32>
      tpu.vector_store %arg7[%swap3A_204, %swap3A_205], %swap3A_208 {strides = array<i32>} : memref<400x128xf32, #tpu.memory_space<vmem>>, vector<1x16xf32>,
      %swap3A_209 = arith.index_cast %scan3A_123 : i32 to index
      %swap3A_210 = arith.constant 96 : index
      %swap3A_211 = tpu.vector_load %arg7[%swap3A_209, %swap3A_210] {strides = array<i32>} : memref<400x128xf32, #tpu.memory_space<vmem>>, vector<1x16xf32>,
      %swap3A_212 = vector.shape_cast %swap3A_211 : vector<1x16xf32> to vector<16xf32>
      %swap3A_213 = vector.shape_cast %get3A_174 : vector<16xf32> to vector<1x16xf32>
      tpu.vector_store %arg7[%swap3A_209, %swap3A_210], %swap3A_213 {strides = array<i32>} : memref<400x128xf32, #tpu.memory_space<vmem>>, vector<1x16xf32>,
      %swap3A_214 = arith.index_cast %scan3A_123 : i32 to index
      %swap3A_215 = arith.constant 112 : index
      %swap3A_216 = tpu.vector_load %arg7[%swap3A_214, %swap3A_215] {strides = array<i32>} : memref<400x128xf32, #tpu.memory_space<vmem>>, vector<1x16xf32>,
      %swap3A_217 = vector.shape_cast %swap3A_216 : vector<1x16xf32> to vector<16xf32>
      %swap3A_218 = vector.shape_cast %get3A_179 : vector<16xf32> to vector<1x16xf32>
      tpu.vector_store %arg7[%swap3A_214, %swap3A_215], %swap3A_218 {strides = array<i32>} : memref<400x128xf32, #tpu.memory_space<vmem>>, vector<1x16xf32>,
      scf.yield %mul3A_139 : i32
    }
    %scan3A_77 = arith.constant 400 : i32
    %dma_start3A_78 = arith.constant 0 : i32
    %dma_start3A_79 = tpu.memref_slice %arg4[%mul3A_55, %dma_start3A_78] : memref<50000x128xf32, #tpu.memory_space<hbm>> -> memref<400x128xf32, #tpu.memory_space<hbm>>
    %dma_start3A_80 = arith.constant 0 : i32
    %dma_start3A_81 = tpu.memref_slice %arg4[%mul3A_55, %dma_start3A_80] : memref<50000x128xf32, #tpu.memory_space<hbm>> -> memref<400x128xf32, #tpu.memory_space<hbm>>
    tpu.enqueue_dma source(%arg7 : memref<400x128xf32, #tpu.memory_space<vmem>>) target(%dma_start3A_81 : memref<400x128xf32, #tpu.memory_space<hbm>>) target_semaphore(%arg9 : memref<!tpu.dma_semaphore, #tpu.memory_space<semaphore_mem>>)
    %add3A_82 = arith.constant 96 : i32
    %add3A_83 = arith.addi %add3A, %add3A_82 : i32
    %min3A_84 = arith.constant 124 : i32
    %min3A_85 = arith.minsi %add3A_83, %min3A_84 : i32
    %mul3A_86 = arith.constant 400 : i32
    %mul3A_87 = arith.muli %min3A_85, %mul3A_86 : i32
    "tpu.region"() ({
      %run_scoped3A = tpu.sem_alloc : memref<!tpu.dma_semaphore, #tpu.memory_space<semaphore_mem>>
      %dma_start3A_123 = arith.constant 0 : i32
      %dma_start3A_124 = tpu.memref_slice %arg5[%dma_start3A_123] : memref<416xi32, #tpu.memory_space<vmem>> -> memref<400xi32, #tpu.memory_space<vmem>>
      %dma_start3A_125 = tpu.memref_slice %arg2[%mul3A_87] : memref<50000xi32, #tpu.memory_space<hbm>> -> memref<400xi32, #tpu.memory_space<hbm>>
      %dma_start3A_126 = arith.constant 0 : i32
      %dma_start3A_127 = tpu.memref_slice %arg5[%dma_start3A_126] : memref<416xi32, #tpu.memory_space<vmem>> -> memref<400xi32, #tpu.memory_space<vmem>>
      %dma_start3A_128 = tpu.memref_slice %arg2[%mul3A_87] : memref<50000xi32, #tpu.memory_space<hbm>> -> memref<400xi32, #tpu.memory_space<hbm>>
      tpu.enqueue_dma source(%dma_start3A_128 : memref<400xi32, #tpu.memory_space<hbm>>) target(%dma_start3A_127 : memref<400xi32, #tpu.memory_space<vmem>>) target_semaphore(%run_scoped3A : memref<!tpu.dma_semaphore, #tpu.memory_space<semaphore_mem>>)
      %dma_wait3A_129 = arith.constant 0 : i32
      %dma_wait3A_130 = tpu.memref_slice %arg5[%dma_wait3A_129] : memref<416xi32, #tpu.memory_space<vmem>> -> memref<400xi32, #tpu.memory_space<vmem>>
      %dma_wait3A_131 = tpu.memref_slice %arg2[%mul3A_87] : memref<50000xi32, #tpu.memory_space<hbm>> -> memref<400xi32, #tpu.memory_space<hbm>>
      %dma_wait3A_132 = arith.constant 0 : i32
      %dma_wait3A_133 = tpu.memref_slice %arg5[%dma_wait3A_132] : memref<416xi32, #tpu.memory_space<vmem>> -> memref<400xi32, #tpu.memory_space<vmem>>
      %dma_wait3A_134 = tpu.memref_slice %arg2[%mul3A_87] : memref<50000xi32, #tpu.memory_space<hbm>> -> memref<400xi32, #tpu.memory_space<hbm>>
      tpu.wait_dma2 semaphore(%run_scoped3A : memref<!tpu.dma_semaphore, #tpu.memory_space<semaphore_mem>>) src(%dma_wait3A_134 : memref<400xi32, #tpu.memory_space<hbm>>) dst(%dma_wait3A_133 : memref<400xi32, #tpu.memory_space<vmem>>)
      tpu.yield
    }) : () -> ()
    %dma_wait3A_88 = arith.constant 0 : i32
    %dma_wait3A_89 = tpu.memref_slice %arg4[%mul3A_26, %dma_wait3A_88] : memref<50000x128xf32, #tpu.memory_space<hbm>> -> memref<400x128xf32, #tpu.memory_space<hbm>>
    %dma_wait3A_90 = arith.constant 0 : i32
    %dma_wait3A_91 = tpu.memref_slice %arg4[%mul3A_26, %dma_wait3A_90] : memref<50000x128xf32, #tpu.memory_space<hbm>> -> memref<400x128xf32, #tpu.memory_space<hbm>>
    tpu.wait_dma2 semaphore(%arg10 : memref<!tpu.dma_semaphore, #tpu.memory_space<semaphore_mem>>) src(%arg8 : memref<400x128xf32, #tpu.memory_space<vmem>>) dst(%dma_wait3A_91 : memref<400x128xf32, #tpu.memory_space<hbm>>)
    %get3A_92 = arith.constant 0 : index
    %get3A_93 = tpu.vector_load %arg5[%get3A_92] {strides = array<i32>} : memref<416xi32, #tpu.memory_space<vmem>>, vector<16xi32>,
    %get3A_94 = vector.shape_cast %get3A_93 : vector<16xi32> to vector<16xi32>
    %slice3A_95 = vector.extract_strided_slice %get3A_94 {offsets = [0], sizes = [1], strides = [1]} : vector<16xi32> to vector<1xi32>
    %squeeze3A_96 = vector.extract %slice3A_95[0] : i32 from vector<1xi32>
    %gt3A_97 = arith.constant 1000 : i32
    %gt3A_98 = arith.cmpi sgt, %squeeze3A_96, %gt3A_97 : i32
    %min3A_99 = arith.constant 10 : i32
    %min3A_100 = arith.minsi %squeeze3A_96, %min3A_99 : i32
    %jit3A_101 = arith.constant 11 : i32
    %select_n3A_102 = arith.select %gt3A_98, %jit3A_101, %min3A_100 : i32
    %mul3A_103 = arith.constant 128 : i32
    %mul3A_104 = arith.muli %select_n3A_102, %mul3A_103 : i32
    %scan3A_105 = arith.constant 0 : i32
    %scan3A_106 = arith.constant 400 : i32
    %scan3A_107 = arith.addi %scan3A_105, %scan3A_106 : i32
    %scan3A_108 = arith.constant 1 : i32
    %scan3A_109 = scf.for %scan3A_123 = %scan3A_105 to %scan3A_107 step %scan3A_108 iter_args(%scan3A_124 = %mul3A_104) -> (i32)  : i32 {
      %add3A_125 = arith.constant 1 : i32
      %add3A_126 = arith.addi %scan3A_123, %add3A_125 : i32
      %get3A_127 = arith.index_cast %add3A_126 : i32 to index
      %get3A_128 = tpu.vector_load %arg5[%get3A_127] {strides = array<i32>} : memref<416xi32, #tpu.memory_space<vmem>>, vector<16xi32>,
      %get3A_129 = vector.shape_cast %get3A_128 : vector<16xi32> to vector<16xi32>
      %slice3A_130 = vector.extract_strided_slice %get3A_129 {offsets = [0], sizes = [1], strides = [1]} : vector<16xi32> to vector<1xi32>
      %squeeze3A_131 = vector.extract %slice3A_130[0] : i32 from vector<1xi32>
      %gt3A_132 = arith.constant 1000 : i32
      %gt3A_133 = arith.cmpi sgt, %squeeze3A_131, %gt3A_132 : i32
      %min3A_134 = arith.constant 10 : i32
      %min3A_135 = arith.minsi %squeeze3A_131, %min3A_134 : i32
      %jit3A_136 = arith.constant 11 : i32
      %select_n3A_137 = arith.select %gt3A_133, %jit3A_136, %min3A_135 : i32
      %mul3A_138 = arith.constant 128 : i32
      %mul3A_139 = arith.muli %select_n3A_137, %mul3A_138 : i32
      %add3A_140 = arith.constant 0 : i32
      %add3A_141 = arith.addi %scan3A_124, %add3A_140 : i32
      %get3A_142 = arith.index_cast %add3A_141 : i32 to index
      %get3A_143 = tpu.vector_load %arg6[%get3A_142] {strides = array<i32>} : memref<1536xf32, #tpu.memory_space<vmem>>, vector<16xf32>,
      %get3A_144 = vector.shape_cast %get3A_143 : vector<16xf32> to vector<16xf32>
      %add3A_145 = arith.constant 16 : i32
      %add3A_146 = arith.addi %scan3A_124, %add3A_145 : i32
      %get3A_147 = arith.index_cast %add3A_146 : i32 to index
      %get3A_148 = tpu.vector_load %arg6[%get3A_147] {strides = array<i32>} : memref<1536xf32, #tpu.memory_space<vmem>>, vector<16xf32>,
      %get3A_149 = vector.shape_cast %get3A_148 : vector<16xf32> to vector<16xf32>
      %add3A_150 = arith.constant 32 : i32
      %add3A_151 = arith.addi %scan3A_124, %add3A_150 : i32
      %get3A_152 = arith.index_cast %add3A_151 : i32 to index
      %get3A_153 = tpu.vector_load %arg6[%get3A_152] {strides = array<i32>} : memref<1536xf32, #tpu.memory_space<vmem>>, vector<16xf32>,
      %get3A_154 = vector.shape_cast %get3A_153 : vector<16xf32> to vector<16xf32>
      %add3A_155 = arith.constant 48 : i32
      %add3A_156 = arith.addi %scan3A_124, %add3A_155 : i32
      %get3A_157 = arith.index_cast %add3A_156 : i32 to index
      %get3A_158 = tpu.vector_load %arg6[%get3A_157] {strides = array<i32>} : memref<1536xf32, #tpu.memory_space<vmem>>, vector<16xf32>,
      %get3A_159 = vector.shape_cast %get3A_158 : vector<16xf32> to vector<16xf32>
      %add3A_160 = arith.constant 64 : i32
      %add3A_161 = arith.addi %scan3A_124, %add3A_160 : i32
      %get3A_162 = arith.index_cast %add3A_161 : i32 to index
      %get3A_163 = tpu.vector_load %arg6[%get3A_162] {strides = array<i32>} : memref<1536xf32, #tpu.memory_space<vmem>>, vector<16xf32>,
      %get3A_164 = vector.shape_cast %get3A_163 : vector<16xf32> to vector<16xf32>
      %add3A_165 = arith.constant 80 : i32
      %add3A_166 = arith.addi %scan3A_124, %add3A_165 : i32
      %get3A_167 = arith.index_cast %add3A_166 : i32 to index
      %get3A_168 = tpu.vector_load %arg6[%get3A_167] {strides = array<i32>} : memref<1536xf32, #tpu.memory_space<vmem>>, vector<16xf32>,
      %get3A_169 = vector.shape_cast %get3A_168 : vector<16xf32> to vector<16xf32>
      %add3A_170 = arith.constant 96 : i32
      %add3A_171 = arith.addi %scan3A_124, %add3A_170 : i32
      %get3A_172 = arith.index_cast %add3A_171 : i32 to index
      %get3A_173 = tpu.vector_load %arg6[%get3A_172] {strides = array<i32>} : memref<1536xf32, #tpu.memory_space<vmem>>, vector<16xf32>,
      %get3A_174 = vector.shape_cast %get3A_173 : vector<16xf32> to vector<16xf32>
      %add3A_175 = arith.constant 112 : i32
      %add3A_176 = arith.addi %scan3A_124, %add3A_175 : i32
      %get3A_177 = arith.index_cast %add3A_176 : i32 to index
      %get3A_178 = tpu.vector_load %arg6[%get3A_177] {strides = array<i32>} : memref<1536xf32, #tpu.memory_space<vmem>>, vector<16xf32>,
      %get3A_179 = vector.shape_cast %get3A_178 : vector<16xf32> to vector<16xf32>
      %swap3A = arith.index_cast %scan3A_123 : i32 to index
      %swap3A_180 = arith.constant 0 : index
      %swap3A_181 = tpu.vector_load %arg8[%swap3A, %swap3A_180] {strides = array<i32>} : memref<400x128xf32, #tpu.memory_space<vmem>>, vector<1x16xf32>,
      %swap3A_182 = vector.shape_cast %swap3A_181 : vector<1x16xf32> to vector<16xf32>
      %swap3A_183 = vector.shape_cast %get3A_144 : vector<16xf32> to vector<1x16xf32>
      tpu.vector_store %arg8[%swap3A, %swap3A_180], %swap3A_183 {strides = array<i32>} : memref<400x128xf32, #tpu.memory_space<vmem>>, vector<1x16xf32>,
      %swap3A_184 = arith.index_cast %scan3A_123 : i32 to index
      %swap3A_185 = arith.constant 16 : index
      %swap3A_186 = tpu.vector_load %arg8[%swap3A_184, %swap3A_185] {strides = array<i32>} : memref<400x128xf32, #tpu.memory_space<vmem>>, vector<1x16xf32>,
      %swap3A_187 = vector.shape_cast %swap3A_186 : vector<1x16xf32> to vector<16xf32>
      %swap3A_188 = vector.shape_cast %get3A_149 : vector<16xf32> to vector<1x16xf32>
      tpu.vector_store %arg8[%swap3A_184, %swap3A_185], %swap3A_188 {strides = array<i32>} : memref<400x128xf32, #tpu.memory_space<vmem>>, vector<1x16xf32>,
      %swap3A_189 = arith.index_cast %scan3A_123 : i32 to index
      %swap3A_190 = arith.constant 32 : index
      %swap3A_191 = tpu.vector_load %arg8[%swap3A_189, %swap3A_190] {strides = array<i32>} : memref<400x128xf32, #tpu.memory_space<vmem>>, vector<1x16xf32>,
      %swap3A_192 = vector.shape_cast %swap3A_191 : vector<1x16xf32> to vector<16xf32>
      %swap3A_193 = vector.shape_cast %get3A_154 : vector<16xf32> to vector<1x16xf32>
      tpu.vector_store %arg8[%swap3A_189, %swap3A_190], %swap3A_193 {strides = array<i32>} : memref<400x128xf32, #tpu.memory_space<vmem>>, vector<1x16xf32>,
      %swap3A_194 = arith.index_cast %scan3A_123 : i32 to index
      %swap3A_195 = arith.constant 48 : index
      %swap3A_196 = tpu.vector_load %arg8[%swap3A_194, %swap3A_195] {strides = array<i32>} : memref<400x128xf32, #tpu.memory_space<vmem>>, vector<1x16xf32>,
      %swap3A_197 = vector.shape_cast %swap3A_196 : vector<1x16xf32> to vector<16xf32>
      %swap3A_198 = vector.shape_cast %get3A_159 : vector<16xf32> to vector<1x16xf32>
      tpu.vector_store %arg8[%swap3A_194, %swap3A_195], %swap3A_198 {strides = array<i32>} : memref<400x128xf32, #tpu.memory_space<vmem>>, vector<1x16xf32>,
      %swap3A_199 = arith.index_cast %scan3A_123 : i32 to index
      %swap3A_200 = arith.constant 64 : index
      %swap3A_201 = tpu.vector_load %arg8[%swap3A_199, %swap3A_200] {strides = array<i32>} : memref<400x128xf32, #tpu.memory_space<vmem>>, vector<1x16xf32>,
      %swap3A_202 = vector.shape_cast %swap3A_201 : vector<1x16xf32> to vector<16xf32>
      %swap3A_203 = vector.shape_cast %get3A_164 : vector<16xf32> to vector<1x16xf32>
      tpu.vector_store %arg8[%swap3A_199, %swap3A_200], %swap3A_203 {strides = array<i32>} : memref<400x128xf32, #tpu.memory_space<vmem>>, vector<1x16xf32>,
      %swap3A_204 = arith.index_cast %scan3A_123 : i32 to index
      %swap3A_205 = arith.constant 80 : index
      %swap3A_206 = tpu.vector_load %arg8[%swap3A_204, %swap3A_205] {strides = array<i32>} : memref<400x128xf32, #tpu.memory_space<vmem>>, vector<1x16xf32>,
      %swap3A_207 = vector.shape_cast %swap3A_206 : vector<1x16xf32> to vector<16xf32>
      %swap3A_208 = vector.shape_cast %get3A_169 : vector<16xf32> to vector<1x16xf32>
      tpu.vector_store %arg8[%swap3A_204, %swap3A_205], %swap3A_208 {strides = array<i32>} : memref<400x128xf32, #tpu.memory_space<vmem>>, vector<1x16xf32>,
      %swap3A_209 = arith.index_cast %scan3A_123 : i32 to index
      %swap3A_210 = arith.constant 96 : index
      %swap3A_211 = tpu.vector_load %arg8[%swap3A_209, %swap3A_210] {strides = array<i32>} : memref<400x128xf32, #tpu.memory_space<vmem>>, vector<1x16xf32>,
      %swap3A_212 = vector.shape_cast %swap3A_211 : vector<1x16xf32> to vector<16xf32>
      %swap3A_213 = vector.shape_cast %get3A_174 : vector<16xf32> to vector<1x16xf32>
      tpu.vector_store %arg8[%swap3A_209, %swap3A_210], %swap3A_213 {strides = array<i32>} : memref<400x128xf32, #tpu.memory_space<vmem>>, vector<1x16xf32>,
      %swap3A_214 = arith.index_cast %scan3A_123 : i32 to index
      %swap3A_215 = arith.constant 112 : index
      %swap3A_216 = tpu.vector_load %arg8[%swap3A_214, %swap3A_215] {strides = array<i32>} : memref<400x128xf32, #tpu.memory_space<vmem>>, vector<1x16xf32>,
      %swap3A_217 = vector.shape_cast %swap3A_216 : vector<1x16xf32> to vector<16xf32>
      %swap3A_218 = vector.shape_cast %get3A_179 : vector<16xf32> to vector<1x16xf32>
      tpu.vector_store %arg8[%swap3A_214, %swap3A_215], %swap3A_218 {strides = array<i32>} : memref<400x128xf32, #tpu.memory_space<vmem>>, vector<1x16xf32>,
      scf.yield %mul3A_139 : i32
    }
    %scan3A_110 = arith.constant 400 : i32
    %dma_start3A_111 = arith.constant 0 : i32
    %dma_start3A_112 = tpu.memref_slice %arg4[%mul3A_87, %dma_start3A_111] : memref<50000x128xf32, #tpu.memory_space<hbm>> -> memref<400x128xf32, #tpu.memory_space<hbm>>
    %dma_start3A_113 = arith.constant 0 : i32
    %dma_start3A_114 = tpu.memref_slice %arg4[%mul3A_87, %dma_start3A_113] : memref<50000x128xf32, #tpu.memory_space<hbm>> -> memref<400x128xf32, #tpu.memory_space<hbm>>
    tpu.enqueue_dma source(%arg8 : memref<400x128xf32, #tpu.memory_space<vmem>>) target(%dma_start3A_114 : memref<400x128xf32, #tpu.memory_space<hbm>>) target_semaphore(%arg10 : memref<!tpu.dma_semaphore, #tpu.memory_space<semaphore_mem>>)
    %dma_wait3A_115 = arith.constant 0 : i32
    %dma_wait3A_116 = tpu.memref_slice %arg4[%mul3A_55, %dma_wait3A_115] : memref<50000x128xf32, #tpu.memory_space<hbm>> -> memref<400x128xf32, #tpu.memory_space<hbm>>
    %dma_wait3A_117 = arith.constant 0 : i32
    %dma_wait3A_118 = tpu.memref_slice %arg4[%mul3A_55, %dma_wait3A_117] : memref<50000x128xf32, #tpu.memory_space<hbm>> -> memref<400x128xf32, #tpu.memory_space<hbm>>
    tpu.wait_dma2 semaphore(%arg9 : memref<!tpu.dma_semaphore, #tpu.memory_space<semaphore_mem>>) src(%arg7 : memref<400x128xf32, #tpu.memory_space<vmem>>) dst(%dma_wait3A_118 : memref<400x128xf32, #tpu.memory_space<hbm>>)
    %dma_wait3A_119 = arith.constant 0 : i32
    %dma_wait3A_120 = tpu.memref_slice %arg4[%mul3A_87, %dma_wait3A_119] : memref<50000x128xf32, #tpu.memory_space<hbm>> -> memref<400x128xf32, #tpu.memory_space<hbm>>
    %dma_wait3A_121 = arith.constant 0 : i32
    %dma_wait3A_122 = tpu.memref_slice %arg4[%mul3A_87, %dma_wait3A_121] : memref<50000x128xf32, #tpu.memory_space<hbm>> -> memref<400x128xf32, #tpu.memory_space<hbm>>
    tpu.wait_dma2 semaphore(%arg10 : memref<!tpu.dma_semaphore, #tpu.memory_space<semaphore_mem>>) src(%arg8 : memref<400x128xf32, #tpu.memory_space<vmem>>) dst(%dma_wait3A_122 : memref<400x128xf32, #tpu.memory_space<hbm>>)
    return
  }
}

#map = affine_map<(d0, d1) -> (0)>
#map1 = affine_map<(d0, d1) -> (0, 0)>
module attributes {stable_mosaic.version = 14 : i64} {
  func.func @_sc_body(%arg0: i32, %arg1: i32, %arg2: memref<50000xi32, #tpu.memory_space<hbm>>, %arg3: memref<1536xf32, #tpu.memory_space<hbm>>, %arg4: memref<50000x128xf32, #tpu.memory_space<hbm>>, %arg5: memref<416xi32, #tpu.memory_space<vmem>>, %arg6: memref<1536xf32, #tpu.memory_space<vmem>>, %arg7: memref<400x128xf32, #tpu.memory_space<vmem>>, %arg8: memref<400x128xf32, #tpu.memory_space<vmem>>, %arg9: memref<!tpu.dma_semaphore, #tpu.memory_space<semaphore_mem>>, %arg10: memref<!tpu.dma_semaphore, #tpu.memory_space<semaphore_mem>>) attributes {dimension_semantics = [#tpu.dimension_semantics<core_parallel>, #tpu.dimension_semantics<subcore_parallel>], iteration_bounds = array<i64: 2, 16>, scalar_prefetch = 0 : i64, scratch_operands = 6 : i64, tpu.core_type = #tpu.core_type<sc_vector_subcore>, window_params = [{transform_indices = #map}, {transform_indices = #map}, {transform_indices = #map1}]} {
    %mul3A = arith.constant 16 : i32
    %mul3A_0 = arith.muli %arg0, %mul3A : i32
    %add3A = arith.addi %mul3A_0, %arg1 : i32
    "tpu.region"() ({
      %run_scoped3A = tpu.sem_alloc : memref<!tpu.dma_semaphore, #tpu.memory_space<semaphore_mem>>
      tpu.enqueue_dma source(%arg3 : memref<1536xf32, #tpu.memory_space<hbm>>) target(%arg6 : memref<1536xf32, #tpu.memory_space<vmem>>) target_semaphore(%run_scoped3A : memref<!tpu.dma_semaphore, #tpu.memory_space<semaphore_mem>>)
      tpu.wait_dma2 semaphore(%run_scoped3A : memref<!tpu.dma_semaphore, #tpu.memory_space<semaphore_mem>>) src(%arg3 : memref<1536xf32, #tpu.memory_space<hbm>>) dst(%arg6 : memref<1536xf32, #tpu.memory_space<vmem>>)
      tpu.yield
    }) : () -> ()
    %add3A_1 = arith.constant 0 : i32
    %add3A_2 = arith.addi %add3A, %add3A_1 : i32
    %min3A = arith.constant 124 : i32
    %min3A_3 = arith.minsi %add3A_2, %min3A : i32
    %mul3A_4 = arith.constant 400 : i32
    %mul3A_5 = arith.muli %min3A_3, %mul3A_4 : i32
    "tpu.region"() ({
      %run_scoped3A = tpu.sem_alloc : memref<!tpu.dma_semaphore, #tpu.memory_space<semaphore_mem>>
      %dma_start3A_123 = arith.constant 0 : i32
      %dma_start3A_124 = tpu.memref_slice %arg5[%dma_start3A_123] : memref<416xi32, #tpu.memory_space<vmem>> -> memref<400xi32, #tpu.memory_space<vmem>>
      %dma_start3A_125 = tpu.memref_slice %arg2[%mul3A_5] : memref<50000xi32, #tpu.memory_space<hbm>> -> memref<400xi32, #tpu.memory_space<hbm>>
      %dma_start3A_126 = arith.constant 0 : i32
      %dma_start3A_127 = tpu.memref_slice %arg5[%dma_start3A_126] : memref<416xi32, #tpu.memory_space<vmem>> -> memref<400xi32, #tpu.memory_space<vmem>>
      %dma_start3A_128 = tpu.memref_slice %arg2[%mul3A_5] : memref<50000xi32, #tpu.memory_space<hbm>> -> memref<400xi32, #tpu.memory_space<hbm>>
      tpu.enqueue_dma source(%dma_start3A_128 : memref<400xi32, #tpu.memory_space<hbm>>) target(%dma_start3A_127 : memref<400xi32, #tpu.memory_space<vmem>>) target_semaphore(%run_scoped3A : memref<!tpu.dma_semaphore, #tpu.memory_space<semaphore_mem>>)
      %dma_wait3A_129 = arith.constant 0 : i32
      %dma_wait3A_130 = tpu.memref_slice %arg5[%dma_wait3A_129] : memref<416xi32, #tpu.memory_space<vmem>> -> memref<400xi32, #tpu.memory_space<vmem>>
      %dma_wait3A_131 = tpu.memref_slice %arg2[%mul3A_5] : memref<50000xi32, #tpu.memory_space<hbm>> -> memref<400xi32, #tpu.memory_space<hbm>>
      %dma_wait3A_132 = arith.constant 0 : i32
      %dma_wait3A_133 = tpu.memref_slice %arg5[%dma_wait3A_132] : memref<416xi32, #tpu.memory_space<vmem>> -> memref<400xi32, #tpu.memory_space<vmem>>
      %dma_wait3A_134 = tpu.memref_slice %arg2[%mul3A_5] : memref<50000xi32, #tpu.memory_space<hbm>> -> memref<400xi32, #tpu.memory_space<hbm>>
      tpu.wait_dma2 semaphore(%run_scoped3A : memref<!tpu.dma_semaphore, #tpu.memory_space<semaphore_mem>>) src(%dma_wait3A_134 : memref<400xi32, #tpu.memory_space<hbm>>) dst(%dma_wait3A_133 : memref<400xi32, #tpu.memory_space<vmem>>)
      tpu.yield
    }) : () -> ()
    %get3A = arith.constant 0 : index
    %get3A_6 = tpu.vector_load %arg5[%get3A] {strides = array<i32>} : memref<416xi32, #tpu.memory_space<vmem>>, vector<16xi32>,
    %get3A_7 = vector.shape_cast %get3A_6 : vector<16xi32> to vector<16xi32>
    %slice3A = vector.extract_strided_slice %get3A_7 {offsets = [0], sizes = [1], strides = [1]} : vector<16xi32> to vector<1xi32>
    %squeeze3A = vector.extract %slice3A[0] : i32 from vector<1xi32>
    %gt3A = arith.constant 1000 : i32
    %gt3A_8 = arith.cmpi sgt, %squeeze3A, %gt3A : i32
    %min3A_9 = arith.constant 10 : i32
    %min3A_10 = arith.minsi %squeeze3A, %min3A_9 : i32
    %jit3A = arith.constant 11 : i32
    %select_n3A = arith.select %gt3A_8, %jit3A, %min3A_10 : i32
    %mul3A_11 = arith.constant 128 : i32
    %mul3A_12 = arith.muli %select_n3A, %mul3A_11 : i32
    %scan3A = arith.constant 0 : i32
    %scan3A_13 = arith.constant 400 : i32
    %scan3A_14 = arith.addi %scan3A, %scan3A_13 : i32
    %scan3A_15 = arith.constant 1 : i32
    %scan3A_16 = scf.for %scan3A_123 = %scan3A to %scan3A_14 step %scan3A_15 iter_args(%scan3A_124 = %mul3A_12) -> (i32)  : i32 {
      %add3A_125 = arith.constant 1 : i32
      %add3A_126 = arith.addi %scan3A_123, %add3A_125 : i32
      %get3A_127 = arith.index_cast %add3A_126 : i32 to index
      %get3A_128 = tpu.vector_load %arg5[%get3A_127] {strides = array<i32>} : memref<416xi32, #tpu.memory_space<vmem>>, vector<16xi32>,
      %get3A_129 = vector.shape_cast %get3A_128 : vector<16xi32> to vector<16xi32>
      %slice3A_130 = vector.extract_strided_slice %get3A_129 {offsets = [0], sizes = [1], strides = [1]} : vector<16xi32> to vector<1xi32>
      %squeeze3A_131 = vector.extract %slice3A_130[0] : i32 from vector<1xi32>
      %gt3A_132 = arith.constant 1000 : i32
      %gt3A_133 = arith.cmpi sgt, %squeeze3A_131, %gt3A_132 : i32
      %min3A_134 = arith.constant 10 : i32
      %min3A_135 = arith.minsi %squeeze3A_131, %min3A_134 : i32
      %jit3A_136 = arith.constant 11 : i32
      %select_n3A_137 = arith.select %gt3A_133, %jit3A_136, %min3A_135 : i32
      %mul3A_138 = arith.constant 128 : i32
      %mul3A_139 = arith.muli %select_n3A_137, %mul3A_138 : i32
      %add3A_140 = arith.constant 0 : i32
      %add3A_141 = arith.addi %scan3A_124, %add3A_140 : i32
      %get3A_142 = arith.index_cast %add3A_141 : i32 to index
      %get3A_143 = tpu.vector_load %arg6[%get3A_142] {strides = array<i32>} : memref<1536xf32, #tpu.memory_space<vmem>>, vector<16xf32>,
      %get3A_144 = vector.shape_cast %get3A_143 : vector<16xf32> to vector<16xf32>
      %add3A_145 = arith.constant 16 : i32
      %add3A_146 = arith.addi %scan3A_124, %add3A_145 : i32
      %get3A_147 = arith.index_cast %add3A_146 : i32 to index
      %get3A_148 = tpu.vector_load %arg6[%get3A_147] {strides = array<i32>} : memref<1536xf32, #tpu.memory_space<vmem>>, vector<16xf32>,
      %get3A_149 = vector.shape_cast %get3A_148 : vector<16xf32> to vector<16xf32>
      %add3A_150 = arith.constant 32 : i32
      %add3A_151 = arith.addi %scan3A_124, %add3A_150 : i32
      %get3A_152 = arith.index_cast %add3A_151 : i32 to index
      %get3A_153 = tpu.vector_load %arg6[%get3A_152] {strides = array<i32>} : memref<1536xf32, #tpu.memory_space<vmem>>, vector<16xf32>,
      %get3A_154 = vector.shape_cast %get3A_153 : vector<16xf32> to vector<16xf32>
      %add3A_155 = arith.constant 48 : i32
      %add3A_156 = arith.addi %scan3A_124, %add3A_155 : i32
      %get3A_157 = arith.index_cast %add3A_156 : i32 to index
      %get3A_158 = tpu.vector_load %arg6[%get3A_157] {strides = array<i32>} : memref<1536xf32, #tpu.memory_space<vmem>>, vector<16xf32>,
      %get3A_159 = vector.shape_cast %get3A_158 : vector<16xf32> to vector<16xf32>
      %add3A_160 = arith.constant 64 : i32
      %add3A_161 = arith.addi %scan3A_124, %add3A_160 : i32
      %get3A_162 = arith.index_cast %add3A_161 : i32 to index
      %get3A_163 = tpu.vector_load %arg6[%get3A_162] {strides = array<i32>} : memref<1536xf32, #tpu.memory_space<vmem>>, vector<16xf32>,
      %get3A_164 = vector.shape_cast %get3A_163 : vector<16xf32> to vector<16xf32>
      %add3A_165 = arith.constant 80 : i32
      %add3A_166 = arith.addi %scan3A_124, %add3A_165 : i32
      %get3A_167 = arith.index_cast %add3A_166 : i32 to index
      %get3A_168 = tpu.vector_load %arg6[%get3A_167] {strides = array<i32>} : memref<1536xf32, #tpu.memory_space<vmem>>, vector<16xf32>,
      %get3A_169 = vector.shape_cast %get3A_168 : vector<16xf32> to vector<16xf32>
      %add3A_170 = arith.constant 96 : i32
      %add3A_171 = arith.addi %scan3A_124, %add3A_170 : i32
      %get3A_172 = arith.index_cast %add3A_171 : i32 to index
      %get3A_173 = tpu.vector_load %arg6[%get3A_172] {strides = array<i32>} : memref<1536xf32, #tpu.memory_space<vmem>>, vector<16xf32>,
      %get3A_174 = vector.shape_cast %get3A_173 : vector<16xf32> to vector<16xf32>
      %add3A_175 = arith.constant 112 : i32
      %add3A_176 = arith.addi %scan3A_124, %add3A_175 : i32
      %get3A_177 = arith.index_cast %add3A_176 : i32 to index
      %get3A_178 = tpu.vector_load %arg6[%get3A_177] {strides = array<i32>} : memref<1536xf32, #tpu.memory_space<vmem>>, vector<16xf32>,
      %get3A_179 = vector.shape_cast %get3A_178 : vector<16xf32> to vector<16xf32>
      %swap3A = arith.index_cast %scan3A_123 : i32 to index
      %swap3A_180 = arith.constant 0 : index
      %swap3A_181 = tpu.vector_load %arg7[%swap3A, %swap3A_180] {strides = array<i32>} : memref<400x128xf32, #tpu.memory_space<vmem>>, vector<1x16xf32>,
      %swap3A_182 = vector.shape_cast %swap3A_181 : vector<1x16xf32> to vector<16xf32>
      %swap3A_183 = vector.shape_cast %get3A_144 : vector<16xf32> to vector<1x16xf32>
      tpu.vector_store %arg7[%swap3A, %swap3A_180], %swap3A_183 {strides = array<i32>} : memref<400x128xf32, #tpu.memory_space<vmem>>, vector<1x16xf32>,
      %swap3A_184 = arith.index_cast %scan3A_123 : i32 to index
      %swap3A_185 = arith.constant 16 : index
      %swap3A_186 = tpu.vector_load %arg7[%swap3A_184, %swap3A_185] {strides = array<i32>} : memref<400x128xf32, #tpu.memory_space<vmem>>, vector<1x16xf32>,
      %swap3A_187 = vector.shape_cast %swap3A_186 : vector<1x16xf32> to vector<16xf32>
      %swap3A_188 = vector.shape_cast %get3A_149 : vector<16xf32> to vector<1x16xf32>
      tpu.vector_store %arg7[%swap3A_184, %swap3A_185], %swap3A_188 {strides = array<i32>} : memref<400x128xf32, #tpu.memory_space<vmem>>, vector<1x16xf32>,
      %swap3A_189 = arith.index_cast %scan3A_123 : i32 to index
      %swap3A_190 = arith.constant 32 : index
      %swap3A_191 = tpu.vector_load %arg7[%swap3A_189, %swap3A_190] {strides = array<i32>} : memref<400x128xf32, #tpu.memory_space<vmem>>, vector<1x16xf32>,
      %swap3A_192 = vector.shape_cast %swap3A_191 : vector<1x16xf32> to vector<16xf32>
      %swap3A_193 = vector.shape_cast %get3A_154 : vector<16xf32> to vector<1x16xf32>
      tpu.vector_store %arg7[%swap3A_189, %swap3A_190], %swap3A_193 {strides = array<i32>} : memref<400x128xf32, #tpu.memory_space<vmem>>, vector<1x16xf32>,
      %swap3A_194 = arith.index_cast %scan3A_123 : i32 to index
      %swap3A_195 = arith.constant 48 : index
      %swap3A_196 = tpu.vector_load %arg7[%swap3A_194, %swap3A_195] {strides = array<i32>} : memref<400x128xf32, #tpu.memory_space<vmem>>, vector<1x16xf32>,
      %swap3A_197 = vector.shape_cast %swap3A_196 : vector<1x16xf32> to vector<16xf32>
      %swap3A_198 = vector.shape_cast %get3A_159 : vector<16xf32> to vector<1x16xf32>
      tpu.vector_store %arg7[%swap3A_194, %swap3A_195], %swap3A_198 {strides = array<i32>} : memref<400x128xf32, #tpu.memory_space<vmem>>, vector<1x16xf32>,
      %swap3A_199 = arith.index_cast %scan3A_123 : i32 to index
      %swap3A_200 = arith.constant 64 : index
      %swap3A_201 = tpu.vector_load %arg7[%swap3A_199, %swap3A_200] {strides = array<i32>} : memref<400x128xf32, #tpu.memory_space<vmem>>, vector<1x16xf32>,
      %swap3A_202 = vector.shape_cast %swap3A_201 : vector<1x16xf32> to vector<16xf32>
      %swap3A_203 = vector.shape_cast %get3A_164 : vector<16xf32> to vector<1x16xf32>
      tpu.vector_store %arg7[%swap3A_199, %swap3A_200], %swap3A_203 {strides = array<i32>} : memref<400x128xf32, #tpu.memory_space<vmem>>, vector<1x16xf32>,
      %swap3A_204 = arith.index_cast %scan3A_123 : i32 to index
      %swap3A_205 = arith.constant 80 : index
      %swap3A_206 = tpu.vector_load %arg7[%swap3A_204, %swap3A_205] {strides = array<i32>} : memref<400x128xf32, #tpu.memory_space<vmem>>, vector<1x16xf32>,
      %swap3A_207 = vector.shape_cast %swap3A_206 : vector<1x16xf32> to vector<16xf32>
      %swap3A_208 = vector.shape_cast %get3A_169 : vector<16xf32> to vector<1x16xf32>
      tpu.vector_store %arg7[%swap3A_204, %swap3A_205], %swap3A_208 {strides = array<i32>} : memref<400x128xf32, #tpu.memory_space<vmem>>, vector<1x16xf32>,
      %swap3A_209 = arith.index_cast %scan3A_123 : i32 to index
      %swap3A_210 = arith.constant 96 : index
      %swap3A_211 = tpu.vector_load %arg7[%swap3A_209, %swap3A_210] {strides = array<i32>} : memref<400x128xf32, #tpu.memory_space<vmem>>, vector<1x16xf32>,
      %swap3A_212 = vector.shape_cast %swap3A_211 : vector<1x16xf32> to vector<16xf32>
      %swap3A_213 = vector.shape_cast %get3A_174 : vector<16xf32> to vector<1x16xf32>
      tpu.vector_store %arg7[%swap3A_209, %swap3A_210], %swap3A_213 {strides = array<i32>} : memref<400x128xf32, #tpu.memory_space<vmem>>, vector<1x16xf32>,
      %swap3A_214 = arith.index_cast %scan3A_123 : i32 to index
      %swap3A_215 = arith.constant 112 : index
      %swap3A_216 = tpu.vector_load %arg7[%swap3A_214, %swap3A_215] {strides = array<i32>} : memref<400x128xf32, #tpu.memory_space<vmem>>, vector<1x16xf32>,
      %swap3A_217 = vector.shape_cast %swap3A_216 : vector<1x16xf32> to vector<16xf32>
      %swap3A_218 = vector.shape_cast %get3A_179 : vector<16xf32> to vector<1x16xf32>
      tpu.vector_store %arg7[%swap3A_214, %swap3A_215], %swap3A_218 {strides = array<i32>} : memref<400x128xf32, #tpu.memory_space<vmem>>, vector<1x16xf32>,
      scf.yield %mul3A_139 : i32
    }
    %scan3A_17 = arith.constant 400 : i32
    %dma_start3A = arith.constant 0 : i32
    %dma_start3A_18 = tpu.memref_slice %arg4[%mul3A_5, %dma_start3A] : memref<50000x128xf32, #tpu.memory_space<hbm>> -> memref<400x128xf32, #tpu.memory_space<hbm>>
    %dma_start3A_19 = arith.constant 0 : i32
    %dma_start3A_20 = tpu.memref_slice %arg4[%mul3A_5, %dma_start3A_19] : memref<50000x128xf32, #tpu.memory_space<hbm>> -> memref<400x128xf32, #tpu.memory_space<hbm>>
    tpu.enqueue_dma source(%arg7 : memref<400x128xf32, #tpu.memory_space<vmem>>) target(%dma_start3A_20 : memref<400x128xf32, #tpu.memory_space<hbm>>) target_semaphore(%arg9 : memref<!tpu.dma_semaphore, #tpu.memory_space<semaphore_mem>>)
    %add3A_21 = arith.constant 32 : i32
    %add3A_22 = arith.addi %add3A, %add3A_21 : i32
    %min3A_23 = arith.constant 124 : i32
    %min3A_24 = arith.minsi %add3A_22, %min3A_23 : i32
    %mul3A_25 = arith.constant 400 : i32
    %mul3A_26 = arith.muli %min3A_24, %mul3A_25 : i32
    "tpu.region"() ({
      %run_scoped3A = tpu.sem_alloc : memref<!tpu.dma_semaphore, #tpu.memory_space<semaphore_mem>>
      %dma_start3A_123 = arith.constant 0 : i32
      %dma_start3A_124 = tpu.memref_slice %arg5[%dma_start3A_123] : memref<416xi32, #tpu.memory_space<vmem>> -> memref<400xi32, #tpu.memory_space<vmem>>
      %dma_start3A_125 = tpu.memref_slice %arg2[%mul3A_26] : memref<50000xi32, #tpu.memory_space<hbm>> -> memref<400xi32, #tpu.memory_space<hbm>>
      %dma_start3A_126 = arith.constant 0 : i32
      %dma_start3A_127 = tpu.memref_slice %arg5[%dma_start3A_126] : memref<416xi32, #tpu.memory_space<vmem>> -> memref<400xi32, #tpu.memory_space<vmem>>
      %dma_start3A_128 = tpu.memref_slice %arg2[%mul3A_26] : memref<50000xi32, #tpu.memory_space<hbm>> -> memref<400xi32, #tpu.memory_space<hbm>>
      tpu.enqueue_dma source(%dma_start3A_128 : memref<400xi32, #tpu.memory_space<hbm>>) target(%dma_start3A_127 : memref<400xi32, #tpu.memory_space<vmem>>) target_semaphore(%run_scoped3A : memref<!tpu.dma_semaphore, #tpu.memory_space<semaphore_mem>>)
      %dma_wait3A_129 = arith.constant 0 : i32
      %dma_wait3A_130 = tpu.memref_slice %arg5[%dma_wait3A_129] : memref<416xi32, #tpu.memory_space<vmem>> -> memref<400xi32, #tpu.memory_space<vmem>>
      %dma_wait3A_131 = tpu.memref_slice %arg2[%mul3A_26] : memref<50000xi32, #tpu.memory_space<hbm>> -> memref<400xi32, #tpu.memory_space<hbm>>
      %dma_wait3A_132 = arith.constant 0 : i32
      %dma_wait3A_133 = tpu.memref_slice %arg5[%dma_wait3A_132] : memref<416xi32, #tpu.memory_space<vmem>> -> memref<400xi32, #tpu.memory_space<vmem>>
      %dma_wait3A_134 = tpu.memref_slice %arg2[%mul3A_26] : memref<50000xi32, #tpu.memory_space<hbm>> -> memref<400xi32, #tpu.memory_space<hbm>>
      tpu.wait_dma2 semaphore(%run_scoped3A : memref<!tpu.dma_semaphore, #tpu.memory_space<semaphore_mem>>) src(%dma_wait3A_134 : memref<400xi32, #tpu.memory_space<hbm>>) dst(%dma_wait3A_133 : memref<400xi32, #tpu.memory_space<vmem>>)
      tpu.yield
    }) : () -> ()
    %get3A_27 = arith.constant 0 : index
    %get3A_28 = tpu.vector_load %arg5[%get3A_27] {strides = array<i32>} : memref<416xi32, #tpu.memory_space<vmem>>, vector<16xi32>,
    %get3A_29 = vector.shape_cast %get3A_28 : vector<16xi32> to vector<16xi32>
    %slice3A_30 = vector.extract_strided_slice %get3A_29 {offsets = [0], sizes = [1], strides = [1]} : vector<16xi32> to vector<1xi32>
    %squeeze3A_31 = vector.extract %slice3A_30[0] : i32 from vector<1xi32>
    %gt3A_32 = arith.constant 1000 : i32
    %gt3A_33 = arith.cmpi sgt, %squeeze3A_31, %gt3A_32 : i32
    %min3A_34 = arith.constant 10 : i32
    %min3A_35 = arith.minsi %squeeze3A_31, %min3A_34 : i32
    %jit3A_36 = arith.constant 11 : i32
    %select_n3A_37 = arith.select %gt3A_33, %jit3A_36, %min3A_35 : i32
    %mul3A_38 = arith.constant 128 : i32
    %mul3A_39 = arith.muli %select_n3A_37, %mul3A_38 : i32
    %scan3A_40 = arith.constant 0 : i32
    %scan3A_41 = arith.constant 400 : i32
    %scan3A_42 = arith.addi %scan3A_40, %scan3A_41 : i32
    %scan3A_43 = arith.constant 1 : i32
    %scan3A_44 = scf.for %scan3A_123 = %scan3A_40 to %scan3A_42 step %scan3A_43 iter_args(%scan3A_124 = %mul3A_39) -> (i32)  : i32 {
      %add3A_125 = arith.constant 1 : i32
      %add3A_126 = arith.addi %scan3A_123, %add3A_125 : i32
      %get3A_127 = arith.index_cast %add3A_126 : i32 to index
      %get3A_128 = tpu.vector_load %arg5[%get3A_127] {strides = array<i32>} : memref<416xi32, #tpu.memory_space<vmem>>, vector<16xi32>,
      %get3A_129 = vector.shape_cast %get3A_128 : vector<16xi32> to vector<16xi32>
      %slice3A_130 = vector.extract_strided_slice %get3A_129 {offsets = [0], sizes = [1], strides = [1]} : vector<16xi32> to vector<1xi32>
      %squeeze3A_131 = vector.extract %slice3A_130[0] : i32 from vector<1xi32>
      %gt3A_132 = arith.constant 1000 : i32
      %gt3A_133 = arith.cmpi sgt, %squeeze3A_131, %gt3A_132 : i32
      %min3A_134 = arith.constant 10 : i32
      %min3A_135 = arith.minsi %squeeze3A_131, %min3A_134 : i32
      %jit3A_136 = arith.constant 11 : i32
      %select_n3A_137 = arith.select %gt3A_133, %jit3A_136, %min3A_135 : i32
      %mul3A_138 = arith.constant 128 : i32
      %mul3A_139 = arith.muli %select_n3A_137, %mul3A_138 : i32
      %add3A_140 = arith.constant 0 : i32
      %add3A_141 = arith.addi %scan3A_124, %add3A_140 : i32
      %get3A_142 = arith.index_cast %add3A_141 : i32 to index
      %get3A_143 = tpu.vector_load %arg6[%get3A_142] {strides = array<i32>} : memref<1536xf32, #tpu.memory_space<vmem>>, vector<16xf32>,
      %get3A_144 = vector.shape_cast %get3A_143 : vector<16xf32> to vector<16xf32>
      %add3A_145 = arith.constant 16 : i32
      %add3A_146 = arith.addi %scan3A_124, %add3A_145 : i32
      %get3A_147 = arith.index_cast %add3A_146 : i32 to index
      %get3A_148 = tpu.vector_load %arg6[%get3A_147] {strides = array<i32>} : memref<1536xf32, #tpu.memory_space<vmem>>, vector<16xf32>,
      %get3A_149 = vector.shape_cast %get3A_148 : vector<16xf32> to vector<16xf32>
      %add3A_150 = arith.constant 32 : i32
      %add3A_151 = arith.addi %scan3A_124, %add3A_150 : i32
      %get3A_152 = arith.index_cast %add3A_151 : i32 to index
      %get3A_153 = tpu.vector_load %arg6[%get3A_152] {strides = array<i32>} : memref<1536xf32, #tpu.memory_space<vmem>>, vector<16xf32>,
      %get3A_154 = vector.shape_cast %get3A_153 : vector<16xf32> to vector<16xf32>
      %add3A_155 = arith.constant 48 : i32
      %add3A_156 = arith.addi %scan3A_124, %add3A_155 : i32
      %get3A_157 = arith.index_cast %add3A_156 : i32 to index
      %get3A_158 = tpu.vector_load %arg6[%get3A_157] {strides = array<i32>} : memref<1536xf32, #tpu.memory_space<vmem>>, vector<16xf32>,
      %get3A_159 = vector.shape_cast %get3A_158 : vector<16xf32> to vector<16xf32>
      %add3A_160 = arith.constant 64 : i32
      %add3A_161 = arith.addi %scan3A_124, %add3A_160 : i32
      %get3A_162 = arith.index_cast %add3A_161 : i32 to index
      %get3A_163 = tpu.vector_load %arg6[%get3A_162] {strides = array<i32>} : memref<1536xf32, #tpu.memory_space<vmem>>, vector<16xf32>,
      %get3A_164 = vector.shape_cast %get3A_163 : vector<16xf32> to vector<16xf32>
      %add3A_165 = arith.constant 80 : i32
      %add3A_166 = arith.addi %scan3A_124, %add3A_165 : i32
      %get3A_167 = arith.index_cast %add3A_166 : i32 to index
      %get3A_168 = tpu.vector_load %arg6[%get3A_167] {strides = array<i32>} : memref<1536xf32, #tpu.memory_space<vmem>>, vector<16xf32>,
      %get3A_169 = vector.shape_cast %get3A_168 : vector<16xf32> to vector<16xf32>
      %add3A_170 = arith.constant 96 : i32
      %add3A_171 = arith.addi %scan3A_124, %add3A_170 : i32
      %get3A_172 = arith.index_cast %add3A_171 : i32 to index
      %get3A_173 = tpu.vector_load %arg6[%get3A_172] {strides = array<i32>} : memref<1536xf32, #tpu.memory_space<vmem>>, vector<16xf32>,
      %get3A_174 = vector.shape_cast %get3A_173 : vector<16xf32> to vector<16xf32>
      %add3A_175 = arith.constant 112 : i32
      %add3A_176 = arith.addi %scan3A_124, %add3A_175 : i32
      %get3A_177 = arith.index_cast %add3A_176 : i32 to index
      %get3A_178 = tpu.vector_load %arg6[%get3A_177] {strides = array<i32>} : memref<1536xf32, #tpu.memory_space<vmem>>, vector<16xf32>,
      %get3A_179 = vector.shape_cast %get3A_178 : vector<16xf32> to vector<16xf32>
      %swap3A = arith.index_cast %scan3A_123 : i32 to index
      %swap3A_180 = arith.constant 0 : index
      %swap3A_181 = tpu.vector_load %arg8[%swap3A, %swap3A_180] {strides = array<i32>} : memref<400x128xf32, #tpu.memory_space<vmem>>, vector<1x16xf32>,
      %swap3A_182 = vector.shape_cast %swap3A_181 : vector<1x16xf32> to vector<16xf32>
      %swap3A_183 = vector.shape_cast %get3A_144 : vector<16xf32> to vector<1x16xf32>
      tpu.vector_store %arg8[%swap3A, %swap3A_180], %swap3A_183 {strides = array<i32>} : memref<400x128xf32, #tpu.memory_space<vmem>>, vector<1x16xf32>,
      %swap3A_184 = arith.index_cast %scan3A_123 : i32 to index
      %swap3A_185 = arith.constant 16 : index
      %swap3A_186 = tpu.vector_load %arg8[%swap3A_184, %swap3A_185] {strides = array<i32>} : memref<400x128xf32, #tpu.memory_space<vmem>>, vector<1x16xf32>,
      %swap3A_187 = vector.shape_cast %swap3A_186 : vector<1x16xf32> to vector<16xf32>
      %swap3A_188 = vector.shape_cast %get3A_149 : vector<16xf32> to vector<1x16xf32>
      tpu.vector_store %arg8[%swap3A_184, %swap3A_185], %swap3A_188 {strides = array<i32>} : memref<400x128xf32, #tpu.memory_space<vmem>>, vector<1x16xf32>,
      %swap3A_189 = arith.index_cast %scan3A_123 : i32 to index
      %swap3A_190 = arith.constant 32 : index
      %swap3A_191 = tpu.vector_load %arg8[%swap3A_189, %swap3A_190] {strides = array<i32>} : memref<400x128xf32, #tpu.memory_space<vmem>>, vector<1x16xf32>,
      %swap3A_192 = vector.shape_cast %swap3A_191 : vector<1x16xf32> to vector<16xf32>
      %swap3A_193 = vector.shape_cast %get3A_154 : vector<16xf32> to vector<1x16xf32>
      tpu.vector_store %arg8[%swap3A_189, %swap3A_190], %swap3A_193 {strides = array<i32>} : memref<400x128xf32, #tpu.memory_space<vmem>>, vector<1x16xf32>,
      %swap3A_194 = arith.index_cast %scan3A_123 : i32 to index
      %swap3A_195 = arith.constant 48 : index
      %swap3A_196 = tpu.vector_load %arg8[%swap3A_194, %swap3A_195] {strides = array<i32>} : memref<400x128xf32, #tpu.memory_space<vmem>>, vector<1x16xf32>,
      %swap3A_197 = vector.shape_cast %swap3A_196 : vector<1x16xf32> to vector<16xf32>
      %swap3A_198 = vector.shape_cast %get3A_159 : vector<16xf32> to vector<1x16xf32>
      tpu.vector_store %arg8[%swap3A_194, %swap3A_195], %swap3A_198 {strides = array<i32>} : memref<400x128xf32, #tpu.memory_space<vmem>>, vector<1x16xf32>,
      %swap3A_199 = arith.index_cast %scan3A_123 : i32 to index
      %swap3A_200 = arith.constant 64 : index
      %swap3A_201 = tpu.vector_load %arg8[%swap3A_199, %swap3A_200] {strides = array<i32>} : memref<400x128xf32, #tpu.memory_space<vmem>>, vector<1x16xf32>,
      %swap3A_202 = vector.shape_cast %swap3A_201 : vector<1x16xf32> to vector<16xf32>
      %swap3A_203 = vector.shape_cast %get3A_164 : vector<16xf32> to vector<1x16xf32>
      tpu.vector_store %arg8[%swap3A_199, %swap3A_200], %swap3A_203 {strides = array<i32>} : memref<400x128xf32, #tpu.memory_space<vmem>>, vector<1x16xf32>,
      %swap3A_204 = arith.index_cast %scan3A_123 : i32 to index
      %swap3A_205 = arith.constant 80 : index
      %swap3A_206 = tpu.vector_load %arg8[%swap3A_204, %swap3A_205] {strides = array<i32>} : memref<400x128xf32, #tpu.memory_space<vmem>>, vector<1x16xf32>,
      %swap3A_207 = vector.shape_cast %swap3A_206 : vector<1x16xf32> to vector<16xf32>
      %swap3A_208 = vector.shape_cast %get3A_169 : vector<16xf32> to vector<1x16xf32>
      tpu.vector_store %arg8[%swap3A_204, %swap3A_205], %swap3A_208 {strides = array<i32>} : memref<400x128xf32, #tpu.memory_space<vmem>>, vector<1x16xf32>,
      %swap3A_209 = arith.index_cast %scan3A_123 : i32 to index
      %swap3A_210 = arith.constant 96 : index
      %swap3A_211 = tpu.vector_load %arg8[%swap3A_209, %swap3A_210] {strides = array<i32>} : memref<400x128xf32, #tpu.memory_space<vmem>>, vector<1x16xf32>,
      %swap3A_212 = vector.shape_cast %swap3A_211 : vector<1x16xf32> to vector<16xf32>
      %swap3A_213 = vector.shape_cast %get3A_174 : vector<16xf32> to vector<1x16xf32>
      tpu.vector_store %arg8[%swap3A_209, %swap3A_210], %swap3A_213 {strides = array<i32>} : memref<400x128xf32, #tpu.memory_space<vmem>>, vector<1x16xf32>,
      %swap3A_214 = arith.index_cast %scan3A_123 : i32 to index
      %swap3A_215 = arith.constant 112 : index
      %swap3A_216 = tpu.vector_load %arg8[%swap3A_214, %swap3A_215] {strides = array<i32>} : memref<400x128xf32, #tpu.memory_space<vmem>>, vector<1x16xf32>,
      %swap3A_217 = vector.shape_cast %swap3A_216 : vector<1x16xf32> to vector<16xf32>
      %swap3A_218 = vector.shape_cast %get3A_179 : vector<16xf32> to vector<1x16xf32>
      tpu.vector_store %arg8[%swap3A_214, %swap3A_215], %swap3A_218 {strides = array<i32>} : memref<400x128xf32, #tpu.memory_space<vmem>>, vector<1x16xf32>,
      scf.yield %mul3A_139 : i32
    }
    %scan3A_45 = arith.constant 400 : i32
    %dma_start3A_46 = arith.constant 0 : i32
    %dma_start3A_47 = tpu.memref_slice %arg4[%mul3A_26, %dma_start3A_46] : memref<50000x128xf32, #tpu.memory_space<hbm>> -> memref<400x128xf32, #tpu.memory_space<hbm>>
    %dma_start3A_48 = arith.constant 0 : i32
    %dma_start3A_49 = tpu.memref_slice %arg4[%mul3A_26, %dma_start3A_48] : memref<50000x128xf32, #tpu.memory_space<hbm>> -> memref<400x128xf32, #tpu.memory_space<hbm>>
    tpu.enqueue_dma source(%arg8 : memref<400x128xf32, #tpu.memory_space<vmem>>) target(%dma_start3A_49 : memref<400x128xf32, #tpu.memory_space<hbm>>) target_semaphore(%arg10 : memref<!tpu.dma_semaphore, #tpu.memory_space<semaphore_mem>>)
    %add3A_50 = arith.constant 64 : i32
    %add3A_51 = arith.addi %add3A, %add3A_50 : i32
    %min3A_52 = arith.constant 124 : i32
    %min3A_53 = arith.minsi %add3A_51, %min3A_52 : i32
    %mul3A_54 = arith.constant 400 : i32
    %mul3A_55 = arith.muli %min3A_53, %mul3A_54 : i32
    "tpu.region"() ({
      %run_scoped3A = tpu.sem_alloc : memref<!tpu.dma_semaphore, #tpu.memory_space<semaphore_mem>>
      %dma_start3A_123 = arith.constant 0 : i32
      %dma_start3A_124 = tpu.memref_slice %arg5[%dma_start3A_123] : memref<416xi32, #tpu.memory_space<vmem>> -> memref<400xi32, #tpu.memory_space<vmem>>
      %dma_start3A_125 = tpu.memref_slice %arg2[%mul3A_55] : memref<50000xi32, #tpu.memory_space<hbm>> -> memref<400xi32, #tpu.memory_space<hbm>>
      %dma_start3A_126 = arith.constant 0 : i32
      %dma_start3A_127 = tpu.memref_slice %arg5[%dma_start3A_126] : memref<416xi32, #tpu.memory_space<vmem>> -> memref<400xi32, #tpu.memory_space<vmem>>
      %dma_start3A_128 = tpu.memref_slice %arg2[%mul3A_55] : memref<50000xi32, #tpu.memory_space<hbm>> -> memref<400xi32, #tpu.memory_space<hbm>>
      tpu.enqueue_dma source(%dma_start3A_128 : memref<400xi32, #tpu.memory_space<hbm>>) target(%dma_start3A_127 : memref<400xi32, #tpu.memory_space<vmem>>) target_semaphore(%run_scoped3A : memref<!tpu.dma_semaphore, #tpu.memory_space<semaphore_mem>>)
      %dma_wait3A_129 = arith.constant 0 : i32
      %dma_wait3A_130 = tpu.memref_slice %arg5[%dma_wait3A_129] : memref<416xi32, #tpu.memory_space<vmem>> -> memref<400xi32, #tpu.memory_space<vmem>>
      %dma_wait3A_131 = tpu.memref_slice %arg2[%mul3A_55] : memref<50000xi32, #tpu.memory_space<hbm>> -> memref<400xi32, #tpu.memory_space<hbm>>
      %dma_wait3A_132 = arith.constant 0 : i32
      %dma_wait3A_133 = tpu.memref_slice %arg5[%dma_wait3A_132] : memref<416xi32, #tpu.memory_space<vmem>> -> memref<400xi32, #tpu.memory_space<vmem>>
      %dma_wait3A_134 = tpu.memref_slice %arg2[%mul3A_55] : memref<50000xi32, #tpu.memory_space<hbm>> -> memref<400xi32, #tpu.memory_space<hbm>>
      tpu.wait_dma2 semaphore(%run_scoped3A : memref<!tpu.dma_semaphore, #tpu.memory_space<semaphore_mem>>) src(%dma_wait3A_134 : memref<400xi32, #tpu.memory_space<hbm>>) dst(%dma_wait3A_133 : memref<400xi32, #tpu.memory_space<vmem>>)
      tpu.yield
    }) : () -> ()
    %dma_wait3A = arith.constant 0 : i32
    %dma_wait3A_56 = tpu.memref_slice %arg4[%mul3A_5, %dma_wait3A] : memref<50000x128xf32, #tpu.memory_space<hbm>> -> memref<400x128xf32, #tpu.memory_space<hbm>>
    %dma_wait3A_57 = arith.constant 0 : i32
    %dma_wait3A_58 = tpu.memref_slice %arg4[%mul3A_5, %dma_wait3A_57] : memref<50000x128xf32, #tpu.memory_space<hbm>> -> memref<400x128xf32, #tpu.memory_space<hbm>>
    tpu.wait_dma2 semaphore(%arg9 : memref<!tpu.dma_semaphore, #tpu.memory_space<semaphore_mem>>) src(%arg7 : memref<400x128xf32, #tpu.memory_space<vmem>>) dst(%dma_wait3A_58 : memref<400x128xf32, #tpu.memory_space<hbm>>)
    %get3A_59 = arith.constant 0 : index
    %get3A_60 = tpu.vector_load %arg5[%get3A_59] {strides = array<i32>} : memref<416xi32, #tpu.memory_space<vmem>>, vector<16xi32>,
    %get3A_61 = vector.shape_cast %get3A_60 : vector<16xi32> to vector<16xi32>
    %slice3A_62 = vector.extract_strided_slice %get3A_61 {offsets = [0], sizes = [1], strides = [1]} : vector<16xi32> to vector<1xi32>
    %squeeze3A_63 = vector.extract %slice3A_62[0] : i32 from vector<1xi32>
    %gt3A_64 = arith.constant 1000 : i32
    %gt3A_65 = arith.cmpi sgt, %squeeze3A_63, %gt3A_64 : i32
    %min3A_66 = arith.constant 10 : i32
    %min3A_67 = arith.minsi %squeeze3A_63, %min3A_66 : i32
    %jit3A_68 = arith.constant 11 : i32
    %select_n3A_69 = arith.select %gt3A_65, %jit3A_68, %min3A_67 : i32
    %mul3A_70 = arith.constant 128 : i32
    %mul3A_71 = arith.muli %select_n3A_69, %mul3A_70 : i32
    %scan3A_72 = arith.constant 0 : i32
    %scan3A_73 = arith.constant 400 : i32
    %scan3A_74 = arith.addi %scan3A_72, %scan3A_73 : i32
    %scan3A_75 = arith.constant 1 : i32
    %scan3A_76 = scf.for %scan3A_123 = %scan3A_72 to %scan3A_74 step %scan3A_75 iter_args(%scan3A_124 = %mul3A_71) -> (i32)  : i32 {
      %add3A_125 = arith.constant 1 : i32
      %add3A_126 = arith.addi %scan3A_123, %add3A_125 : i32
      %get3A_127 = arith.index_cast %add3A_126 : i32 to index
      %get3A_128 = tpu.vector_load %arg5[%get3A_127] {strides = array<i32>} : memref<416xi32, #tpu.memory_space<vmem>>, vector<16xi32>,
      %get3A_129 = vector.shape_cast %get3A_128 : vector<16xi32> to vector<16xi32>
      %slice3A_130 = vector.extract_strided_slice %get3A_129 {offsets = [0], sizes = [1], strides = [1]} : vector<16xi32> to vector<1xi32>
      %squeeze3A_131 = vector.extract %slice3A_130[0] : i32 from vector<1xi32>
      %gt3A_132 = arith.constant 1000 : i32
      %gt3A_133 = arith.cmpi sgt, %squeeze3A_131, %gt3A_132 : i32
      %min3A_134 = arith.constant 10 : i32
      %min3A_135 = arith.minsi %squeeze3A_131, %min3A_134 : i32
      %jit3A_136 = arith.constant 11 : i32
      %select_n3A_137 = arith.select %gt3A_133, %jit3A_136, %min3A_135 : i32
      %mul3A_138 = arith.constant 128 : i32
      %mul3A_139 = arith.muli %select_n3A_137, %mul3A_138 : i32
      %add3A_140 = arith.constant 0 : i32
      %add3A_141 = arith.addi %scan3A_124, %add3A_140 : i32
      %get3A_142 = arith.index_cast %add3A_141 : i32 to index
      %get3A_143 = tpu.vector_load %arg6[%get3A_142] {strides = array<i32>} : memref<1536xf32, #tpu.memory_space<vmem>>, vector<16xf32>,
      %get3A_144 = vector.shape_cast %get3A_143 : vector<16xf32> to vector<16xf32>
      %add3A_145 = arith.constant 16 : i32
      %add3A_146 = arith.addi %scan3A_124, %add3A_145 : i32
      %get3A_147 = arith.index_cast %add3A_146 : i32 to index
      %get3A_148 = tpu.vector_load %arg6[%get3A_147] {strides = array<i32>} : memref<1536xf32, #tpu.memory_space<vmem>>, vector<16xf32>,
      %get3A_149 = vector.shape_cast %get3A_148 : vector<16xf32> to vector<16xf32>
      %add3A_150 = arith.constant 32 : i32
      %add3A_151 = arith.addi %scan3A_124, %add3A_150 : i32
      %get3A_152 = arith.index_cast %add3A_151 : i32 to index
      %get3A_153 = tpu.vector_load %arg6[%get3A_152] {strides = array<i32>} : memref<1536xf32, #tpu.memory_space<vmem>>, vector<16xf32>,
      %get3A_154 = vector.shape_cast %get3A_153 : vector<16xf32> to vector<16xf32>
      %add3A_155 = arith.constant 48 : i32
      %add3A_156 = arith.addi %scan3A_124, %add3A_155 : i32
      %get3A_157 = arith.index_cast %add3A_156 : i32 to index
      %get3A_158 = tpu.vector_load %arg6[%get3A_157] {strides = array<i32>} : memref<1536xf32, #tpu.memory_space<vmem>>, vector<16xf32>,
      %get3A_159 = vector.shape_cast %get3A_158 : vector<16xf32> to vector<16xf32>
      %add3A_160 = arith.constant 64 : i32
      %add3A_161 = arith.addi %scan3A_124, %add3A_160 : i32
      %get3A_162 = arith.index_cast %add3A_161 : i32 to index
      %get3A_163 = tpu.vector_load %arg6[%get3A_162] {strides = array<i32>} : memref<1536xf32, #tpu.memory_space<vmem>>, vector<16xf32>,
      %get3A_164 = vector.shape_cast %get3A_163 : vector<16xf32> to vector<16xf32>
      %add3A_165 = arith.constant 80 : i32
      %add3A_166 = arith.addi %scan3A_124, %add3A_165 : i32
      %get3A_167 = arith.index_cast %add3A_166 : i32 to index
      %get3A_168 = tpu.vector_load %arg6[%get3A_167] {strides = array<i32>} : memref<1536xf32, #tpu.memory_space<vmem>>, vector<16xf32>,
      %get3A_169 = vector.shape_cast %get3A_168 : vector<16xf32> to vector<16xf32>
      %add3A_170 = arith.constant 96 : i32
      %add3A_171 = arith.addi %scan3A_124, %add3A_170 : i32
      %get3A_172 = arith.index_cast %add3A_171 : i32 to index
      %get3A_173 = tpu.vector_load %arg6[%get3A_172] {strides = array<i32>} : memref<1536xf32, #tpu.memory_space<vmem>>, vector<16xf32>,
      %get3A_174 = vector.shape_cast %get3A_173 : vector<16xf32> to vector<16xf32>
      %add3A_175 = arith.constant 112 : i32
      %add3A_176 = arith.addi %scan3A_124, %add3A_175 : i32
      %get3A_177 = arith.index_cast %add3A_176 : i32 to index
      %get3A_178 = tpu.vector_load %arg6[%get3A_177] {strides = array<i32>} : memref<1536xf32, #tpu.memory_space<vmem>>, vector<16xf32>,
      %get3A_179 = vector.shape_cast %get3A_178 : vector<16xf32> to vector<16xf32>
      %swap3A = arith.index_cast %scan3A_123 : i32 to index
      %swap3A_180 = arith.constant 0 : index
      %swap3A_181 = tpu.vector_load %arg7[%swap3A, %swap3A_180] {strides = array<i32>} : memref<400x128xf32, #tpu.memory_space<vmem>>, vector<1x16xf32>,
      %swap3A_182 = vector.shape_cast %swap3A_181 : vector<1x16xf32> to vector<16xf32>
      %swap3A_183 = vector.shape_cast %get3A_144 : vector<16xf32> to vector<1x16xf32>
      tpu.vector_store %arg7[%swap3A, %swap3A_180], %swap3A_183 {strides = array<i32>} : memref<400x128xf32, #tpu.memory_space<vmem>>, vector<1x16xf32>,
      %swap3A_184 = arith.index_cast %scan3A_123 : i32 to index
      %swap3A_185 = arith.constant 16 : index
      %swap3A_186 = tpu.vector_load %arg7[%swap3A_184, %swap3A_185] {strides = array<i32>} : memref<400x128xf32, #tpu.memory_space<vmem>>, vector<1x16xf32>,
      %swap3A_187 = vector.shape_cast %swap3A_186 : vector<1x16xf32> to vector<16xf32>
      %swap3A_188 = vector.shape_cast %get3A_149 : vector<16xf32> to vector<1x16xf32>
      tpu.vector_store %arg7[%swap3A_184, %swap3A_185], %swap3A_188 {strides = array<i32>} : memref<400x128xf32, #tpu.memory_space<vmem>>, vector<1x16xf32>,
      %swap3A_189 = arith.index_cast %scan3A_123 : i32 to index
      %swap3A_190 = arith.constant 32 : index
      %swap3A_191 = tpu.vector_load %arg7[%swap3A_189, %swap3A_190] {strides = array<i32>} : memref<400x128xf32, #tpu.memory_space<vmem>>, vector<1x16xf32>,
      %swap3A_192 = vector.shape_cast %swap3A_191 : vector<1x16xf32> to vector<16xf32>
      %swap3A_193 = vector.shape_cast %get3A_154 : vector<16xf32> to vector<1x16xf32>
      tpu.vector_store %arg7[%swap3A_189, %swap3A_190], %swap3A_193 {strides = array<i32>} : memref<400x128xf32, #tpu.memory_space<vmem>>, vector<1x16xf32>,
      %swap3A_194 = arith.index_cast %scan3A_123 : i32 to index
      %swap3A_195 = arith.constant 48 : index
      %swap3A_196 = tpu.vector_load %arg7[%swap3A_194, %swap3A_195] {strides = array<i32>} : memref<400x128xf32, #tpu.memory_space<vmem>>, vector<1x16xf32>,
      %swap3A_197 = vector.shape_cast %swap3A_196 : vector<1x16xf32> to vector<16xf32>
      %swap3A_198 = vector.shape_cast %get3A_159 : vector<16xf32> to vector<1x16xf32>
      tpu.vector_store %arg7[%swap3A_194, %swap3A_195], %swap3A_198 {strides = array<i32>} : memref<400x128xf32, #tpu.memory_space<vmem>>, vector<1x16xf32>,
      %swap3A_199 = arith.index_cast %scan3A_123 : i32 to index
      %swap3A_200 = arith.constant 64 : index
      %swap3A_201 = tpu.vector_load %arg7[%swap3A_199, %swap3A_200] {strides = array<i32>} : memref<400x128xf32, #tpu.memory_space<vmem>>, vector<1x16xf32>,
      %swap3A_202 = vector.shape_cast %swap3A_201 : vector<1x16xf32> to vector<16xf32>
      %swap3A_203 = vector.shape_cast %get3A_164 : vector<16xf32> to vector<1x16xf32>
      tpu.vector_store %arg7[%swap3A_199, %swap3A_200], %swap3A_203 {strides = array<i32>} : memref<400x128xf32, #tpu.memory_space<vmem>>, vector<1x16xf32>,
      %swap3A_204 = arith.index_cast %scan3A_123 : i32 to index
      %swap3A_205 = arith.constant 80 : index
      %swap3A_206 = tpu.vector_load %arg7[%swap3A_204, %swap3A_205] {strides = array<i32>} : memref<400x128xf32, #tpu.memory_space<vmem>>, vector<1x16xf32>,
      %swap3A_207 = vector.shape_cast %swap3A_206 : vector<1x16xf32> to vector<16xf32>
      %swap3A_208 = vector.shape_cast %get3A_169 : vector<16xf32> to vector<1x16xf32>
      tpu.vector_store %arg7[%swap3A_204, %swap3A_205], %swap3A_208 {strides = array<i32>} : memref<400x128xf32, #tpu.memory_space<vmem>>, vector<1x16xf32>,
      %swap3A_209 = arith.index_cast %scan3A_123 : i32 to index
      %swap3A_210 = arith.constant 96 : index
      %swap3A_211 = tpu.vector_load %arg7[%swap3A_209, %swap3A_210] {strides = array<i32>} : memref<400x128xf32, #tpu.memory_space<vmem>>, vector<1x16xf32>,
      %swap3A_212 = vector.shape_cast %swap3A_211 : vector<1x16xf32> to vector<16xf32>
      %swap3A_213 = vector.shape_cast %get3A_174 : vector<16xf32> to vector<1x16xf32>
      tpu.vector_store %arg7[%swap3A_209, %swap3A_210], %swap3A_213 {strides = array<i32>} : memref<400x128xf32, #tpu.memory_space<vmem>>, vector<1x16xf32>,
      %swap3A_214 = arith.index_cast %scan3A_123 : i32 to index
      %swap3A_215 = arith.constant 112 : index
      %swap3A_216 = tpu.vector_load %arg7[%swap3A_214, %swap3A_215] {strides = array<i32>} : memref<400x128xf32, #tpu.memory_space<vmem>>, vector<1x16xf32>,
      %swap3A_217 = vector.shape_cast %swap3A_216 : vector<1x16xf32> to vector<16xf32>
      %swap3A_218 = vector.shape_cast %get3A_179 : vector<16xf32> to vector<1x16xf32>
      tpu.vector_store %arg7[%swap3A_214, %swap3A_215], %swap3A_218 {strides = array<i32>} : memref<400x128xf32, #tpu.memory_space<vmem>>, vector<1x16xf32>,
      scf.yield %mul3A_139 : i32
    }
    %scan3A_77 = arith.constant 400 : i32
    %dma_start3A_78 = arith.constant 0 : i32
    %dma_start3A_79 = tpu.memref_slice %arg4[%mul3A_55, %dma_start3A_78] : memref<50000x128xf32, #tpu.memory_space<hbm>> -> memref<400x128xf32, #tpu.memory_space<hbm>>
    %dma_start3A_80 = arith.constant 0 : i32
    %dma_start3A_81 = tpu.memref_slice %arg4[%mul3A_55, %dma_start3A_80] : memref<50000x128xf32, #tpu.memory_space<hbm>> -> memref<400x128xf32, #tpu.memory_space<hbm>>
    tpu.enqueue_dma source(%arg7 : memref<400x128xf32, #tpu.memory_space<vmem>>) target(%dma_start3A_81 : memref<400x128xf32, #tpu.memory_space<hbm>>) target_semaphore(%arg9 : memref<!tpu.dma_semaphore, #tpu.memory_space<semaphore_mem>>)
    %add3A_82 = arith.constant 96 : i32
    %add3A_83 = arith.addi %add3A, %add3A_82 : i32
    %min3A_84 = arith.constant 124 : i32
    %min3A_85 = arith.minsi %add3A_83, %min3A_84 : i32
    %mul3A_86 = arith.constant 400 : i32
    %mul3A_87 = arith.muli %min3A_85, %mul3A_86 : i32
    "tpu.region"() ({
      %run_scoped3A = tpu.sem_alloc : memref<!tpu.dma_semaphore, #tpu.memory_space<semaphore_mem>>
      %dma_start3A_123 = arith.constant 0 : i32
      %dma_start3A_124 = tpu.memref_slice %arg5[%dma_start3A_123] : memref<416xi32, #tpu.memory_space<vmem>> -> memref<400xi32, #tpu.memory_space<vmem>>
      %dma_start3A_125 = tpu.memref_slice %arg2[%mul3A_87] : memref<50000xi32, #tpu.memory_space<hbm>> -> memref<400xi32, #tpu.memory_space<hbm>>
      %dma_start3A_126 = arith.constant 0 : i32
      %dma_start3A_127 = tpu.memref_slice %arg5[%dma_start3A_126] : memref<416xi32, #tpu.memory_space<vmem>> -> memref<400xi32, #tpu.memory_space<vmem>>
      %dma_start3A_128 = tpu.memref_slice %arg2[%mul3A_87] : memref<50000xi32, #tpu.memory_space<hbm>> -> memref<400xi32, #tpu.memory_space<hbm>>
      tpu.enqueue_dma source(%dma_start3A_128 : memref<400xi32, #tpu.memory_space<hbm>>) target(%dma_start3A_127 : memref<400xi32, #tpu.memory_space<vmem>>) target_semaphore(%run_scoped3A : memref<!tpu.dma_semaphore, #tpu.memory_space<semaphore_mem>>)
      %dma_wait3A_129 = arith.constant 0 : i32
      %dma_wait3A_130 = tpu.memref_slice %arg5[%dma_wait3A_129] : memref<416xi32, #tpu.memory_space<vmem>> -> memref<400xi32, #tpu.memory_space<vmem>>
      %dma_wait3A_131 = tpu.memref_slice %arg2[%mul3A_87] : memref<50000xi32, #tpu.memory_space<hbm>> -> memref<400xi32, #tpu.memory_space<hbm>>
      %dma_wait3A_132 = arith.constant 0 : i32
      %dma_wait3A_133 = tpu.memref_slice %arg5[%dma_wait3A_132] : memref<416xi32, #tpu.memory_space<vmem>> -> memref<400xi32, #tpu.memory_space<vmem>>
      %dma_wait3A_134 = tpu.memref_slice %arg2[%mul3A_87] : memref<50000xi32, #tpu.memory_space<hbm>> -> memref<400xi32, #tpu.memory_space<hbm>>
      tpu.wait_dma2 semaphore(%run_scoped3A : memref<!tpu.dma_semaphore, #tpu.memory_space<semaphore_mem>>) src(%dma_wait3A_134 : memref<400xi32, #tpu.memory_space<hbm>>) dst(%dma_wait3A_133 : memref<400xi32, #tpu.memory_space<vmem>>)
      tpu.yield
    }) : () -> ()
    %dma_wait3A_88 = arith.constant 0 : i32
    %dma_wait3A_89 = tpu.memref_slice %arg4[%mul3A_26, %dma_wait3A_88] : memref<50000x128xf32, #tpu.memory_space<hbm>> -> memref<400x128xf32, #tpu.memory_space<hbm>>
    %dma_wait3A_90 = arith.constant 0 : i32
    %dma_wait3A_91 = tpu.memref_slice %arg4[%mul3A_26, %dma_wait3A_90] : memref<50000x128xf32, #tpu.memory_space<hbm>> -> memref<400x128xf32, #tpu.memory_space<hbm>>
    tpu.wait_dma2 semaphore(%arg10 : memref<!tpu.dma_semaphore, #tpu.memory_space<semaphore_mem>>) src(%arg8 : memref<400x128xf32, #tpu.memory_space<vmem>>) dst(%dma_wait3A_91 : memref<400x128xf32, #tpu.memory_space<hbm>>)
    %get3A_92 = arith.constant 0 : index
    %get3A_93 = tpu.vector_load %arg5[%get3A_92] {strides = array<i32>} : memref<416xi32, #tpu.memory_space<vmem>>, vector<16xi32>,
    %get3A_94 = vector.shape_cast %get3A_93 : vector<16xi32> to vector<16xi32>
    %slice3A_95 = vector.extract_strided_slice %get3A_94 {offsets = [0], sizes = [1], strides = [1]} : vector<16xi32> to vector<1xi32>
    %squeeze3A_96 = vector.extract %slice3A_95[0] : i32 from vector<1xi32>
    %gt3A_97 = arith.constant 1000 : i32
    %gt3A_98 = arith.cmpi sgt, %squeeze3A_96, %gt3A_97 : i32
    %min3A_99 = arith.constant 10 : i32
    %min3A_100 = arith.minsi %squeeze3A_96, %min3A_99 : i32
    %jit3A_101 = arith.constant 11 : i32
    %select_n3A_102 = arith.select %gt3A_98, %jit3A_101, %min3A_100 : i32
    %mul3A_103 = arith.constant 128 : i32
    %mul3A_104 = arith.muli %select_n3A_102, %mul3A_103 : i32
    %scan3A_105 = arith.constant 0 : i32
    %scan3A_106 = arith.constant 400 : i32
    %scan3A_107 = arith.addi %scan3A_105, %scan3A_106 : i32
    %scan3A_108 = arith.constant 1 : i32
    %scan3A_109 = scf.for %scan3A_123 = %scan3A_105 to %scan3A_107 step %scan3A_108 iter_args(%scan3A_124 = %mul3A_104) -> (i32)  : i32 {
      %add3A_125 = arith.constant 1 : i32
      %add3A_126 = arith.addi %scan3A_123, %add3A_125 : i32
      %get3A_127 = arith.index_cast %add3A_126 : i32 to index
      %get3A_128 = tpu.vector_load %arg5[%get3A_127] {strides = array<i32>} : memref<416xi32, #tpu.memory_space<vmem>>, vector<16xi32>,
      %get3A_129 = vector.shape_cast %get3A_128 : vector<16xi32> to vector<16xi32>
      %slice3A_130 = vector.extract_strided_slice %get3A_129 {offsets = [0], sizes = [1], strides = [1]} : vector<16xi32> to vector<1xi32>
      %squeeze3A_131 = vector.extract %slice3A_130[0] : i32 from vector<1xi32>
      %gt3A_132 = arith.constant 1000 : i32
      %gt3A_133 = arith.cmpi sgt, %squeeze3A_131, %gt3A_132 : i32
      %min3A_134 = arith.constant 10 : i32
      %min3A_135 = arith.minsi %squeeze3A_131, %min3A_134 : i32
      %jit3A_136 = arith.constant 11 : i32
      %select_n3A_137 = arith.select %gt3A_133, %jit3A_136, %min3A_135 : i32
      %mul3A_138 = arith.constant 128 : i32
      %mul3A_139 = arith.muli %select_n3A_137, %mul3A_138 : i32
      %add3A_140 = arith.constant 0 : i32
      %add3A_141 = arith.addi %scan3A_124, %add3A_140 : i32
      %get3A_142 = arith.index_cast %add3A_141 : i32 to index
      %get3A_143 = tpu.vector_load %arg6[%get3A_142] {strides = array<i32>} : memref<1536xf32, #tpu.memory_space<vmem>>, vector<16xf32>,
      %get3A_144 = vector.shape_cast %get3A_143 : vector<16xf32> to vector<16xf32>
      %add3A_145 = arith.constant 16 : i32
      %add3A_146 = arith.addi %scan3A_124, %add3A_145 : i32
      %get3A_147 = arith.index_cast %add3A_146 : i32 to index
      %get3A_148 = tpu.vector_load %arg6[%get3A_147] {strides = array<i32>} : memref<1536xf32, #tpu.memory_space<vmem>>, vector<16xf32>,
      %get3A_149 = vector.shape_cast %get3A_148 : vector<16xf32> to vector<16xf32>
      %add3A_150 = arith.constant 32 : i32
      %add3A_151 = arith.addi %scan3A_124, %add3A_150 : i32
      %get3A_152 = arith.index_cast %add3A_151 : i32 to index
      %get3A_153 = tpu.vector_load %arg6[%get3A_152] {strides = array<i32>} : memref<1536xf32, #tpu.memory_space<vmem>>, vector<16xf32>,
      %get3A_154 = vector.shape_cast %get3A_153 : vector<16xf32> to vector<16xf32>
      %add3A_155 = arith.constant 48 : i32
      %add3A_156 = arith.addi %scan3A_124, %add3A_155 : i32
      %get3A_157 = arith.index_cast %add3A_156 : i32 to index
      %get3A_158 = tpu.vector_load %arg6[%get3A_157] {strides = array<i32>} : memref<1536xf32, #tpu.memory_space<vmem>>, vector<16xf32>,
      %get3A_159 = vector.shape_cast %get3A_158 : vector<16xf32> to vector<16xf32>
      %add3A_160 = arith.constant 64 : i32
      %add3A_161 = arith.addi %scan3A_124, %add3A_160 : i32
      %get3A_162 = arith.index_cast %add3A_161 : i32 to index
      %get3A_163 = tpu.vector_load %arg6[%get3A_162] {strides = array<i32>} : memref<1536xf32, #tpu.memory_space<vmem>>, vector<16xf32>,
      %get3A_164 = vector.shape_cast %get3A_163 : vector<16xf32> to vector<16xf32>
      %add3A_165 = arith.constant 80 : i32
      %add3A_166 = arith.addi %scan3A_124, %add3A_165 : i32
      %get3A_167 = arith.index_cast %add3A_166 : i32 to index
      %get3A_168 = tpu.vector_load %arg6[%get3A_167] {strides = array<i32>} : memref<1536xf32, #tpu.memory_space<vmem>>, vector<16xf32>,
      %get3A_169 = vector.shape_cast %get3A_168 : vector<16xf32> to vector<16xf32>
      %add3A_170 = arith.constant 96 : i32
      %add3A_171 = arith.addi %scan3A_124, %add3A_170 : i32
      %get3A_172 = arith.index_cast %add3A_171 : i32 to index
      %get3A_173 = tpu.vector_load %arg6[%get3A_172] {strides = array<i32>} : memref<1536xf32, #tpu.memory_space<vmem>>, vector<16xf32>,
      %get3A_174 = vector.shape_cast %get3A_173 : vector<16xf32> to vector<16xf32>
      %add3A_175 = arith.constant 112 : i32
      %add3A_176 = arith.addi %scan3A_124, %add3A_175 : i32
      %get3A_177 = arith.index_cast %add3A_176 : i32 to index
      %get3A_178 = tpu.vector_load %arg6[%get3A_177] {strides = array<i32>} : memref<1536xf32, #tpu.memory_space<vmem>>, vector<16xf32>,
      %get3A_179 = vector.shape_cast %get3A_178 : vector<16xf32> to vector<16xf32>
      %swap3A = arith.index_cast %scan3A_123 : i32 to index
      %swap3A_180 = arith.constant 0 : index
      %swap3A_181 = tpu.vector_load %arg8[%swap3A, %swap3A_180] {strides = array<i32>} : memref<400x128xf32, #tpu.memory_space<vmem>>, vector<1x16xf32>,
      %swap3A_182 = vector.shape_cast %swap3A_181 : vector<1x16xf32> to vector<16xf32>
      %swap3A_183 = vector.shape_cast %get3A_144 : vector<16xf32> to vector<1x16xf32>
      tpu.vector_store %arg8[%swap3A, %swap3A_180], %swap3A_183 {strides = array<i32>} : memref<400x128xf32, #tpu.memory_space<vmem>>, vector<1x16xf32>,
      %swap3A_184 = arith.index_cast %scan3A_123 : i32 to index
      %swap3A_185 = arith.constant 16 : index
      %swap3A_186 = tpu.vector_load %arg8[%swap3A_184, %swap3A_185] {strides = array<i32>} : memref<400x128xf32, #tpu.memory_space<vmem>>, vector<1x16xf32>,
      %swap3A_187 = vector.shape_cast %swap3A_186 : vector<1x16xf32> to vector<16xf32>
      %swap3A_188 = vector.shape_cast %get3A_149 : vector<16xf32> to vector<1x16xf32>
      tpu.vector_store %arg8[%swap3A_184, %swap3A_185], %swap3A_188 {strides = array<i32>} : memref<400x128xf32, #tpu.memory_space<vmem>>, vector<1x16xf32>,
      %swap3A_189 = arith.index_cast %scan3A_123 : i32 to index
      %swap3A_190 = arith.constant 32 : index
      %swap3A_191 = tpu.vector_load %arg8[%swap3A_189, %swap3A_190] {strides = array<i32>} : memref<400x128xf32, #tpu.memory_space<vmem>>, vector<1x16xf32>,
      %swap3A_192 = vector.shape_cast %swap3A_191 : vector<1x16xf32> to vector<16xf32>
      %swap3A_193 = vector.shape_cast %get3A_154 : vector<16xf32> to vector<1x16xf32>
      tpu.vector_store %arg8[%swap3A_189, %swap3A_190], %swap3A_193 {strides = array<i32>} : memref<400x128xf32, #tpu.memory_space<vmem>>, vector<1x16xf32>,
      %swap3A_194 = arith.index_cast %scan3A_123 : i32 to index
      %swap3A_195 = arith.constant 48 : index
      %swap3A_196 = tpu.vector_load %arg8[%swap3A_194, %swap3A_195] {strides = array<i32>} : memref<400x128xf32, #tpu.memory_space<vmem>>, vector<1x16xf32>,
      %swap3A_197 = vector.shape_cast %swap3A_196 : vector<1x16xf32> to vector<16xf32>
      %swap3A_198 = vector.shape_cast %get3A_159 : vector<16xf32> to vector<1x16xf32>
      tpu.vector_store %arg8[%swap3A_194, %swap3A_195], %swap3A_198 {strides = array<i32>} : memref<400x128xf32, #tpu.memory_space<vmem>>, vector<1x16xf32>,
      %swap3A_199 = arith.index_cast %scan3A_123 : i32 to index
      %swap3A_200 = arith.constant 64 : index
      %swap3A_201 = tpu.vector_load %arg8[%swap3A_199, %swap3A_200] {strides = array<i32>} : memref<400x128xf32, #tpu.memory_space<vmem>>, vector<1x16xf32>,
      %swap3A_202 = vector.shape_cast %swap3A_201 : vector<1x16xf32> to vector<16xf32>
      %swap3A_203 = vector.shape_cast %get3A_164 : vector<16xf32> to vector<1x16xf32>
      tpu.vector_store %arg8[%swap3A_199, %swap3A_200], %swap3A_203 {strides = array<i32>} : memref<400x128xf32, #tpu.memory_space<vmem>>, vector<1x16xf32>,
      %swap3A_204 = arith.index_cast %scan3A_123 : i32 to index
      %swap3A_205 = arith.constant 80 : index
      %swap3A_206 = tpu.vector_load %arg8[%swap3A_204, %swap3A_205] {strides = array<i32>} : memref<400x128xf32, #tpu.memory_space<vmem>>, vector<1x16xf32>,
      %swap3A_207 = vector.shape_cast %swap3A_206 : vector<1x16xf32> to vector<16xf32>
      %swap3A_208 = vector.shape_cast %get3A_169 : vector<16xf32> to vector<1x16xf32>
      tpu.vector_store %arg8[%swap3A_204, %swap3A_205], %swap3A_208 {strides = array<i32>} : memref<400x128xf32, #tpu.memory_space<vmem>>, vector<1x16xf32>,
      %swap3A_209 = arith.index_cast %scan3A_123 : i32 to index
      %swap3A_210 = arith.constant 96 : index
      %swap3A_211 = tpu.vector_load %arg8[%swap3A_209, %swap3A_210] {strides = array<i32>} : memref<400x128xf32, #tpu.memory_space<vmem>>, vector<1x16xf32>,
      %swap3A_212 = vector.shape_cast %swap3A_211 : vector<1x16xf32> to vector<16xf32>
      %swap3A_213 = vector.shape_cast %get3A_174 : vector<16xf32> to vector<1x16xf32>
      tpu.vector_store %arg8[%swap3A_209, %swap3A_210], %swap3A_213 {strides = array<i32>} : memref<400x128xf32, #tpu.memory_space<vmem>>, vector<1x16xf32>,
      %swap3A_214 = arith.index_cast %scan3A_123 : i32 to index
      %swap3A_215 = arith.constant 112 : index
      %swap3A_216 = tpu.vector_load %arg8[%swap3A_214, %swap3A_215] {strides = array<i32>} : memref<400x128xf32, #tpu.memory_space<vmem>>, vector<1x16xf32>,
      %swap3A_217 = vector.shape_cast %swap3A_216 : vector<1x16xf32> to vector<16xf32>
      %swap3A_218 = vector.shape_cast %get3A_179 : vector<16xf32> to vector<1x16xf32>
      tpu.vector_store %arg8[%swap3A_214, %swap3A_215], %swap3A_218 {strides = array<i32>} : memref<400x128xf32, #tpu.memory_space<vmem>>, vector<1x16xf32>,
      scf.yield %mul3A_139 : i32
    }
    %scan3A_110 = arith.constant 400 : i32
    %dma_start3A_111 = arith.constant 0 : i32
    %dma_start3A_112 = tpu.memref_slice %arg4[%mul3A_87, %dma_start3A_111] : memref<50000x128xf32, #tpu.memory_space<hbm>> -> memref<400x128xf32, #tpu.memory_space<hbm>>
    %dma_start3A_113 = arith.constant 0 : i32
    %dma_start3A_114 = tpu.memref_slice %arg4[%mul3A_87, %dma_start3A_113] : memref<50000x128xf32, #tpu.memory_space<hbm>> -> memref<400x128xf32, #tpu.memory_space<hbm>>
    tpu.enqueue_dma source(%arg8 : memref<400x128xf32, #tpu.memory_space<vmem>>) target(%dma_start3A_114 : memref<400x128xf32, #tpu.memory_space<hbm>>) target_semaphore(%arg10 : memref<!tpu.dma_semaphore, #tpu.memory_space<semaphore_mem>>)
    %dma_wait3A_115 = arith.constant 0 : i32
    %dma_wait3A_116 = tpu.memref_slice %arg4[%mul3A_55, %dma_wait3A_115] : memref<50000x128xf32, #tpu.memory_space<hbm>> -> memref<400x128xf32, #tpu.memory_space<hbm>>
    %dma_wait3A_117 = arith.constant 0 : i32
    %dma_wait3A_118 = tpu.memref_slice %arg4[%mul3A_55, %dma_wait3A_117] : memref<50000x128xf32, #tpu.memory_space<hbm>> -> memref<400x128xf32, #tpu.memory_space<hbm>>
    tpu.wait_dma2 semaphore(%arg9 : memref<!tpu.dma_semaphore, #tpu.memory_space<semaphore_mem>>) src(%arg7 : memref<400x128xf32, #tpu.memory_space<vmem>>) dst(%dma_wait3A_118 : memref<400x128xf32, #tpu.memory_space<hbm>>)
    %dma_wait3A_119 = arith.constant 0 : i32
    %dma_wait3A_120 = tpu.memref_slice %arg4[%mul3A_87, %dma_wait3A_119] : memref<50000x128xf32, #tpu.memory_space<hbm>> -> memref<400x128xf32, #tpu.memory_space<hbm>>
    %dma_wait3A_121 = arith.constant 0 : i32
    %dma_wait3A_122 = tpu.memref_slice %arg4[%mul3A_87, %dma_wait3A_121] : memref<50000x128xf32, #tpu.memory_space<hbm>> -> memref<400x128xf32, #tpu.memory_space<hbm>>
    tpu.wait_dma2 semaphore(%arg10 : memref<!tpu.dma_semaphore, #tpu.memory_space<semaphore_mem>>) src(%arg8 : memref<400x128xf32, #tpu.memory_space<vmem>>) dst(%dma_wait3A_122 : memref<400x128xf32, #tpu.memory_space<hbm>>)
    return
  }
}

module attributes {stable_mosaic.version = 14 : i64} {
  func.func @_tc_body_alias(%arg0: i32, %arg1: memref<5000x6xf32, #tpu.memory_space<vmem>>, %arg2: memref<5000x128xf32, #tpu.memory_space<vmem>>, %arg3: memref<6x128xf32, #tpu.memory_space<vmem>>, %arg4: memref<1x128xf32, #tpu.memory_space<vmem>>, %arg5: memref<100000x128xf32, #tpu.memory_space<any>>, %arg6: memref<5000x128xf32, #tpu.memory_space<vmem>>) attributes {dimension_semantics = [#tpu.dimension_semantics<arbitrary>], iteration_bounds = array<i64: 10>, scalar_prefetch = 0 : i64, scratch_operands = 0 : i64, tpu.core_type = #tpu.core_type<tc>, window_params = [{transform_indices = @transform_0, window_bounds = array<i64: 5000, 6>}, {transform_indices = @transform_1, window_bounds = array<i64: 5000, 128>}, {pipeline_mode = #tpu.pipeline_mode<synchronous>, transform_indices = @transform_2, window_bounds = array<i64: 6, 128>}, {pipeline_mode = #tpu.pipeline_mode<synchronous>, transform_indices = @transform_3, window_bounds = array<i64: 1, 128>}, {}, {transform_indices = @transform_5, window_bounds = array<i64: 5000, 128>}]} {
    %get3A = arith.constant 0 : index
    %get3A_0 = arith.constant 0 : index
    %get3A_1 = vector.load %arg1[%get3A, %get3A_0] : memref<5000x6xf32, #tpu.memory_space<vmem>>, vector<5000x6xf32>
    %get3A_2 = arith.constant 0 : index
    %get3A_3 = arith.constant 0 : index
    %get3A_4 = vector.load %arg3[%get3A_2, %get3A_3] : memref<6x128xf32, #tpu.memory_space<vmem>>, vector<6x128xf32>
    %dot_general3A = arith.constant dense<0.000000e+00> : vector<5000x128xf32>
    %dot_general3A_5 = tpu.matmul %get3A_1, %get3A_4, %dot_general3A {dimension_numbers = #tpu.dot_dimension_numbers<[1], [0], [0], [1], [0, 0, 1, 1], [], []>, transpose_lhs_hint = false} : vector<5000x6xf32>, vector<6x128xf32>, vector<5000x128xf32> -> vector<5000x128xf32>
    %get3A_6 = arith.constant 0 : index
    %get3A_7 = arith.constant 0 : index
    %get3A_8 = vector.load %arg2[%get3A_6, %get3A_7] : memref<5000x128xf32, #tpu.memory_space<vmem>>, vector<5000x128xf32>
    %add3A = arith.addf %dot_general3A_5, %get3A_8 : vector<5000x128xf32>
    %get3A_9 = arith.constant 0 : index
    %get3A_10 = arith.constant 0 : index
    %get3A_11 = vector.load %arg4[%get3A_9, %get3A_10] : memref<1x128xf32, #tpu.memory_space<vmem>>, vector<1x128xf32>
    %add3A_12 = vector.broadcast %get3A_11 : vector<1x128xf32> to vector<5000x128xf32>
    %add3A_13 = arith.addf %add3A, %add3A_12 : vector<5000x128xf32>
    %swap3A = arith.constant 0 : index
    %swap3A_14 = arith.constant 0 : index
    %swap3A_15 = vector.load %arg6[%swap3A, %swap3A_14] : memref<5000x128xf32, #tpu.memory_space<vmem>>, vector<5000x128xf32>
    tpu.vector_store %arg6[%swap3A, %swap3A_14], %add3A_13 {strides = array<i32>} : memref<5000x128xf32, #tpu.memory_space<vmem>>, vector<5000x128xf32>,
    return
  }
  func.func @transform_0(%arg0: i32) -> (i32, i32) {
    %add3A = arith.constant 10 : i32
    %add3A_0 = arith.addi %arg0, %add3A : i32
    %c0_i32 = arith.constant 0 : i32
    %c0_i32_1 = arith.constant 0 : i32
    return %add3A_0, %c0_i32 : i32, i32
  }
  func.func @transform_1(%arg0: i32) -> (i32, i32) {
    %c0_i32 = arith.constant 0 : i32
    %c0_i32_0 = arith.constant 0 : i32
    return %arg0, %c0_i32 : i32, i32
  }
  func.func @transform_2(%arg0: i32) -> (i32, i32) {
    %c0_i32 = arith.constant 0 : i32
    %c0_i32_0 = arith.constant 0 : i32
    %c0_i32_1 = arith.constant 0 : i32
    return %c0_i32, %c0_i32_0 : i32, i32
  }
  func.func @transform_3(%arg0: i32) -> (i32, i32) {
    %c0_i32 = arith.constant 0 : i32
    %c0_i32_0 = arith.constant 0 : i32
    %c0_i32_1 = arith.constant 0 : i32
    return %c0_i32, %c0_i32_0 : i32, i32
  }
  func.func @transform_5(%arg0: i32) -> (i32, i32) {
    %add3A = arith.constant 10 : i32
    %add3A_0 = arith.addi %arg0, %add3A : i32
    %c0_i32 = arith.constant 0 : i32
    %c0_i32_1 = arith.constant 0 : i32
    return %add3A_0, %c0_i32 : i32, i32
  }
}

module attributes {stable_mosaic.version = 14 : i64} {
  func.func @_tc_body(%arg0: i32, %arg1: memref<5000x6xf32, #tpu.memory_space<vmem>>, %arg2: memref<5000x128xf32, #tpu.memory_space<vmem>>, %arg3: memref<6x128xf32, #tpu.memory_space<vmem>>, %arg4: memref<1x128xf32, #tpu.memory_space<vmem>>, %arg5: memref<5000x128xf32, #tpu.memory_space<vmem>>) attributes {dimension_semantics = [#tpu.dimension_semantics<arbitrary>], iteration_bounds = array<i64: 10>, scalar_prefetch = 0 : i64, scratch_operands = 0 : i64, tpu.core_type = #tpu.core_type<tc>, window_params = [{transform_indices = @transform_0, window_bounds = array<i64: 5000, 6>}, {transform_indices = @transform_1, window_bounds = array<i64: 5000, 128>}, {pipeline_mode = #tpu.pipeline_mode<synchronous>, transform_indices = @transform_2, window_bounds = array<i64: 6, 128>}, {pipeline_mode = #tpu.pipeline_mode<synchronous>, transform_indices = @transform_3, window_bounds = array<i64: 1, 128>}, {transform_indices = @transform_4, window_bounds = array<i64: 5000, 128>}]} {
    %get3A = arith.constant 0 : index
    %get3A_0 = arith.constant 0 : index
    %get3A_1 = vector.load %arg1[%get3A, %get3A_0] : memref<5000x6xf32, #tpu.memory_space<vmem>>, vector<5000x6xf32>
    %get3A_2 = arith.constant 0 : index
    %get3A_3 = arith.constant 0 : index
    %get3A_4 = vector.load %arg3[%get3A_2, %get3A_3] : memref<6x128xf32, #tpu.memory_space<vmem>>, vector<6x128xf32>
    %dot_general3A = arith.constant dense<0.000000e+00> : vector<5000x128xf32>
    %dot_general3A_5 = tpu.matmul %get3A_1, %get3A_4, %dot_general3A {dimension_numbers = #tpu.dot_dimension_numbers<[1], [0], [0], [1], [0, 0, 1, 1], [], []>, transpose_lhs_hint = false} : vector<5000x6xf32>, vector<6x128xf32>, vector<5000x128xf32> -> vector<5000x128xf32>
    %get3A_6 = arith.constant 0 : index
    %get3A_7 = arith.constant 0 : index
    %get3A_8 = vector.load %arg2[%get3A_6, %get3A_7] : memref<5000x128xf32, #tpu.memory_space<vmem>>, vector<5000x128xf32>
    %add3A = arith.addf %dot_general3A_5, %get3A_8 : vector<5000x128xf32>
    %get3A_9 = arith.constant 0 : index
    %get3A_10 = arith.constant 0 : index
    %get3A_11 = vector.load %arg4[%get3A_9, %get3A_10] : memref<1x128xf32, #tpu.memory_space<vmem>>, vector<1x128xf32>
    %add3A_12 = vector.broadcast %get3A_11 : vector<1x128xf32> to vector<5000x128xf32>
    %add3A_13 = arith.addf %add3A, %add3A_12 : vector<5000x128xf32>
    %swap3A = arith.constant 0 : index
    %swap3A_14 = arith.constant 0 : index
    %swap3A_15 = vector.load %arg5[%swap3A, %swap3A_14] : memref<5000x128xf32, #tpu.memory_space<vmem>>, vector<5000x128xf32>
    tpu.vector_store %arg5[%swap3A, %swap3A_14], %add3A_13 {strides = array<i32>} : memref<5000x128xf32, #tpu.memory_space<vmem>>, vector<5000x128xf32>,
    return
  }
  func.func @transform_0(%arg0: i32) -> (i32, i32) {
    %add3A = arith.constant 0 : i32
    %add3A_0 = arith.addi %arg0, %add3A : i32
    %c0_i32 = arith.constant 0 : i32
    %c0_i32_1 = arith.constant 0 : i32
    return %add3A_0, %c0_i32 : i32, i32
  }
  func.func @transform_1(%arg0: i32) -> (i32, i32) {
    %c0_i32 = arith.constant 0 : i32
    %c0_i32_0 = arith.constant 0 : i32
    return %arg0, %c0_i32 : i32, i32
  }
  func.func @transform_2(%arg0: i32) -> (i32, i32) {
    %c0_i32 = arith.constant 0 : i32
    %c0_i32_0 = arith.constant 0 : i32
    %c0_i32_1 = arith.constant 0 : i32
    return %c0_i32, %c0_i32_0 : i32, i32
  }
  func.func @transform_3(%arg0: i32) -> (i32, i32) {
    %c0_i32 = arith.constant 0 : i32
    %c0_i32_0 = arith.constant 0 : i32
    %c0_i32_1 = arith.constant 0 : i32
    return %c0_i32, %c0_i32_0 : i32, i32
  }
  func.func @transform_4(%arg0: i32) -> (i32, i32) {
    %add3A = arith.constant 0 : i32
    %add3A_0 = arith.addi %arg0, %add3A : i32
    %c0_i32 = arith.constant 0 : i32
    %c0_i32_1 = arith.constant 0 : i32
    return %add3A_0, %c0_i32 : i32, i32
  }
}

</mosaic_0001>

<sc_bundles>
// kernel: _run.6.cloned.1.call-start
scs
__scs_entry_jumppad:
0x0: {  	(pc) =	sbr.rel $0x88, $3  }
0x1: {  	(tag) =	ssettag $0x0;
	lr =	simm.s32 $0x1  }
0x2: {  	[smem:$0x3F9C] =	sst lr;
	_ =	strace $0xD0000000  }
0x3: {  	_ = 	snop  }
0x4: {  	_ = 	snop  }
0x5: {  	_ = 	snop  }
0x6: {  	_ = 	snop  }
0x7: {  	_ = 	snop  }
__scs_overlays_trampoline_lowered:
0x8: {  	[smem:$0x3FAB] =	sst s0  }
0x9: {  	[smem:$0x3FAC] =	sst s1  }
0xa: {  	[smem:$0x3FAD] =	sst s2  }
0xb: {  	[smem:$0x3FAE] =	sst s3  }
0xc: {  	[smem:$0x3FAF] =	sst s4  }
0xd: {  	[smem:$0x3FB0] =	sst s5  }
0xe: {  	[smem:$0x3FB1] =	sst s6  }
0xf: {  	[smem:$0x3FB2] =	sst s7  }
0x10: {  	[smem:$0x3FB3] =	sst s8  }
0x11: {  	[smem:$0x3FB4] =	sst s9;
	s0 =	simm.s32 @!p0 $0x0  }
0x12: {  	s1 =	sld [smem:$0x3F9A];
	s0 =	simm.s32 @p0 $0x1  }
0x13: {  	[smem:$0x3FB5] =	sst s0;
	s0 =	simm.s32 @!p1 $0x0  }
0x14: {  	s2 =	sld [smem:$0x3F99];
	s0 =	simm.s32 @p1 $0x1  }
0x15: {  	[smem:$0x3FB6] =	sst s0;
	s0 =	simm.s32 @!p2 $0x0  }
0x16: {  	s3 =	sld [smem:$0x3FDB];
	s0 =	simm.s32 @p2 $0x1  }
0x17: {  	s4 =	simm.s32 $0x1BF5;
	[smem:$0x3FB8] =	sst s0  }
0x18: {  	s0 =	sld [smem:$0x3F9B];
	_ =	swait.ge [sflag:s4], $0x0  }
0x19: {  	s7 =	sld [smem:$0x3F9C]  }
0x1a: {  	s8 =	sadd.s32 $0xFFFFE003, lr  }
0x1b: {  	s9 =	sadd.s32 $0xFFFFFEF7, lr;
	s5 =	simm.s32 $0xFFFFFFFF;
	p2 =	slt.u32 s8, $0xFFFFF086  }
0x1c: {  	p1 =	slt.u32 s9, $0xF7A;
	s5 =	simm.s32 @!p2 $0x0  }
0x1d: {  	s5 =	simm.s32 @p1 $0x1;
	p0 =	seq.s32 s7, s2  }
0x1e: {  	s7 =	smul.u32 @!p0 $0xF7A, s2;
	p2 =	seq.s32 @!p0 s5, $0x0  }
0x1f: {  	s9 =	smul.u32 $0xF7A, s1;
	s8 =	simm.s32 @!p0 $0x1BF5;
	p2 =	por !p2, p0  }
0x20: {  	[sflag:s8] =	ssyncset.s32 @!p0 $0xFFFFF086;
	s6 =	sadd.s32 @!p0 s3, s7;
	s7 =	simm.s32 @!p0 $0x108  }
0x21: {  	s3 =	sadd.s32 s3, s9;
	s6 =	sadd.s32 @!p0 $0x88, s6;
	s7 =	simm.s32 @p2 $0x1082  }
0x22: {  	[simem:s7], [sflag:s8] =	dma.local @!p0 [hbm:s6], $0xF7A  }
0x23: {  	s9 =	sor.u32 $0xD0000000, s2;
	s6 =	simm.s32 $0x108;
	_ =	swait.ge @!p0 [sflag:s8], $0x0  }
0x24: {  	s3 =	sadd.s32 $0x88, s3;
	s6 =	simm.s32 @!p1 $0x1082;
	[sflag:s4] =	ssyncset.s32 $0xFFFFF086  }
0x25: {  	[simem:s6], [sflag:s4] =	dma.local [hbm:s3], $0xF7A  }
0x26: {  	[smem:$0x3F9C] =	sst s1;
	(tag) =	ssettag s2;
	_ =	strace s9  }
0x27: {  	s1 =	sld [smem:$0x3FAC]  }
0x28: {  	s2 =	sld [smem:$0x3FAD]  }
0x29: {  	s4 =	sld [smem:$0x3FAF]  }
0x2a: {  	p0 =	seq.s32 s5, $0x0;
	s5 =	sld [smem:$0x3FB0]  }
0x2b: {  	s6 =	sld [smem:$0x3FB1]  }
0x2c: {  	s7 =	sld [smem:$0x3FB2]  }
0x2d: {  	s3 =	simm.s32 $0x108;
	s8 =	sld [smem:$0x3FB3]  }
0x2e: {  	s3 =	simm.s32 @!p0 $0x1082;
	s9 =	sld [smem:$0x3FB4]  }
0x2f: {  	lr =	sadd.s32 s0, s3;
	s0 =	sld [smem:$0x3FAB]  }
0x30: {  	s3 =	sld [smem:$0x3FAE]  }
0x31: {  	[smem:$0x3FB7] =	sst s10  }
0x32: {  	s10 =	sld [smem:$0x3FB5];
	_ =	sdelay $0x3  }
0x33: {  	p0 =	seq.s32 s10, $0x1;
	s10 =	sld [smem:$0x3FB7];
	_ =	sdelay $0x3  }
0x34: {  	[smem:$0x3FB7] =	sst s10  }
0x35: {  	s10 =	sld [smem:$0x3FB6];
	_ =	sdelay $0x3  }
0x36: {  	p1 =	seq.s32 s10, $0x1;
	s10 =	sld [smem:$0x3FB7];
	_ =	sdelay $0x3  }
0x37: {  	[smem:$0x3FB7] =	sst s10  }
0x38: {  	s10 =	sld [smem:$0x3FB8]  }
0x39: {  	_ = 	snop;
	(pc) =	sbr.ind lr, $3  }
0x3a: {  	_ = 	snop  }
0x3b: {  	_ = 	snop  }
0x3c: {  	p2 =	seq.s32 s10, $0x1;
	s10 =	sld [smem:$0x3FB7]  }
0x3d: {  	_ =	shalt  }
0x3e: {  	_ =	shalt  }
0x3f: {  	_ =	shalt  }
0x40: {  	_ =	shalt  }
0x41: {  	_ =	shalt  }
0x42: {  	_ =	shalt  }
0x43: {  	_ =	shalt  }
0x44: {  	_ =	shalt  }
0x45: {  	_ =	shalt  }
0x46: {  	_ =	shalt  }
0x47: {  	_ =	shalt  }
0x48: {  	_ =	shalt  }
0x49: {  	_ =	shalt  }
0x4a: {  	_ =	shalt  }
0x4b: {  	_ =	shalt  }
0x4c: {  	_ =	shalt  }
0x4d: {  	_ =	shalt  }
0x4e: {  	_ =	shalt  }
0x4f: {  	_ =	shalt  }
0x50: {  	_ =	shalt  }
0x51: {  	_ =	shalt  }
0x52: {  	_ =	shalt  }
0x53: {  	_ =	shalt  }
0x54: {  	_ =	shalt  }
0x55: {  	_ =	shalt  }
0x56: {  	_ =	shalt  }
0x57: {  	_ =	shalt  }
0x58: {  	_ =	shalt  }
0x59: {  	_ =	shalt  }
0x5a: {  	_ =	shalt  }
0x5b: {  	_ =	shalt  }
0x5c: {  	_ =	shalt  }
0x5d: {  	_ =	shalt  }
0x5e: {  	_ =	shalt  }
0x5f: {  	_ =	shalt  }
0x60: {  	_ =	shalt  }
0x61: {  	_ =	shalt  }
0x62: {  	_ =	shalt  }
0x63: {  	_ =	shalt  }
0x64: {  	_ =	shalt  }
0x65: {  	_ =	shalt  }
0x66: {  	_ =	shalt  }
0x67: {  	_ =	shalt  }
0x68: {  	_ =	shalt  }
0x69: {  	_ =	shalt  }
0x6a: {  	_ =	shalt  }
0x6b: {  	_ =	shalt  }
0x6c: {  	_ =	shalt  }
0x6d: {  	_ =	shalt  }
0x6e: {  	_ =	shalt  }
0x6f: {  	_ =	shalt  }
0x70: {  	_ =	shalt  }
0x71: {  	_ =	shalt  }
0x72: {  	_ =	shalt  }
0x73: {  	_ =	shalt  }
0x74: {  	_ =	shalt  }
0x75: {  	_ =	shalt  }
0x76: {  	_ =	shalt  }
0x77: {  	_ =	shalt  }
0x78: {  	_ =	shalt  }
0x79: {  	_ =	shalt  }
0x7a: {  	_ =	shalt  }
0x7b: {  	_ =	shalt  }
0x7c: {  	_ =	shalt  }
0x7d: {  	_ =	shalt  }
0x7e: {  	_ =	shalt  }
0x7f: {  	_ =	shalt  }
0x80: {  	_ =	shalt  }
0x81: {  	_ =	shalt  }
0x82: {  	_ =	shalt  }
0x83: {  	_ =	shalt  }
0x84: {  	_ =	shalt  }
0x85: {  	_ =	shalt  }
0x86: {  	_ =	shalt  }
0x87: {  	_ =	shalt  }
.Lfunc_end0:
.L_simem_size_0:
called_computation_lowered:
.L_overlay_start_0:
0x88: {  	s2 =	sld [smem:$0x3FD9]  }
0x89: {  	s3 =	sld [smem:$0x3FFE];
	_ =	sdelay $0x1  }
0x8a: {  	s1 =	srdreg.scid  }
0x8b: {  	s0 =	sand.u32 $0x1, s1  }
0x8c: {  	s17 =	sshll.u32 s0, $0xA;
	s2 =	sadd.s32 s3, s2  }
0x8d: {  	s2 =	sadd.s32 s2, s17  }
0x8e: {  	[smem:$0x3FC3] =	sst s2  }
0x8f: {  	_ = 	snop  }
0x90: {  	s2 =	sld [smem:$0x3FC5]  }
0x91: {  	s18 =	sld [smem:$0x3FD0];
	(tm) =	ssettm $0x1  }
0x92: {  	s4 =	sld [smem:$0x3FFB];
	_ =	sdelay $0x3  }
0x93: {  	_ =	strace s4  }
0x94: {  	s4 =	sld [smem:$0x3FFC];
	_ =	sdelay $0x3  }
0x95: {  	_ =	strace s4  }
0x96: {  	s4 =	sld [smem:$0x3FFD];
	_ =	sdelay $0x3  }
0x97: {  	_ =	strace s4  }
0x98: {  	_ =	strace $0x8FFFFFFF  }
0x99: {  	s19 =	sld [smem:$0x3FDB];
	_ =	sdelay $0x1  }
0x9a: {  	s5 =	simm.s32 $_scs_section_size  }
0x9b: {  	s6 =	simm.s32 $_size__tile_overlayer_lowered;
	s7 =	simm.s32 $_tile_overlayer_lowered  }
0x9c: {  	s22 =	simm.s32 $0x1BFF;
	s21 =	sshll.u32 s7, $0x1;
	s4 =	sadd.s32 s5, s19  }
0x9d: {  	s8 =	simm.s32 $0x0;
	s20 =	sshll.u32 s6, $0x1;
	s6 =	sadd.s32 s21, s4  }
0x9e: {  	[timem:s8], [sflag:s22] =	dma.local [hbm:s6], s20  }
0x9f: {  	_ =	swait.ge [sflag:s22], s20  }
0xa0: {  	s5 =	ssub.s32 $0x0, s20;
	[sflag:s22] =	ssyncset.done $0x0  }
0xa1: {  	[sflag:s22] =	ssyncadd.s32 s5;
	_ =	sdelay $0x1  }
0xa2: {  	s23 =	simm.s32 $0x1B8B  }
0xa3: {  	_ =	swait.ge [sflag:s23], $0x1  }
0xa4: {  	[sflag:s23] =	ssyncset.done $0x0  }
0xa5: {  	s25 =	simm.s32 $0x1B8E;
	s24 =	sld [smem:$0x3FFE];
	[sflag:s23] =	ssyncadd.s32 $0xFFFFFFFF  }
0xa6: {  	s26 =	simm.s32 $execute0_lowered;
	[smem:$0x3FD2] =	sst s25  }
0xa7: {  	s6 =	sshll.u32 s26, $0x1;
	_ =	strace $0x80000046;
	[dreg:$0x1] =	wrdreg $0xFFFFFFFF  }
0xa8: {  	s28 =	simm.s32 $_size_execute0_lowered;
	s4 =	sadd.s32 s4, s6;
	[dreg:$0x0] =	wrdreg $0x0  }
0xa9: {  	s6 =	sshll.u32 s28, $0x1;
	[dreg:$0x2] =	wrdreg s4  }
0xaa: {  	[dreg:$0x3] =	wrdreg s6  }
0xab: {  	[dreg:$0x4] =	wrdreg $0xC0  }
0xac: {  	_ =	task [dreg:s8], $0x5FFFF  }
0xad: {  	[dreg:$0x1] =	wrdreg $0xFFFFFFFF  }
0xae: {  	[dreg:$0x0] =	wrdreg $0x60  }
0xaf: {  	[dreg:$0x2] =	wrdreg s18  }
0xb0: {  	[dreg:$0x3] =	wrdreg s2  }
0xb1: {  	[dreg:$0x4] =	wrdreg s24  }
0xb2: {  	[dreg:$0x5] =	wrdreg $0x9  }
0xb3: {  	_ =	task.clear_ibuf [dreg:s8], $0x6FFFF;
	_ =	strace $0x90000046  }
0xb4: {  	s29 =	simm.s32 $0x9;
	_ =	strace $0x80000048  }
0xb5: {  	_ =	swait.ge [sflag:s29], $0x1  }
0xb6: {  	[sflag:s29] =	ssyncadd.s32 $0xFFFFFFFF  }
0xb7: {  	_ =	strace $0x90000048  }
0xb8: {  	_ =	sfence  }
0xb9: {  	s30 =	sld [smem:$0x0];
	_ =	sdelay $0x2  }
0xba: {  	s31 =	sshll.u32 s1, $0xD;
	s1 =	sshrl.u32 s1, $0x2  }
0xbb: {  	s3 =	sand.u32 $0x4000, s31;
	s1 =	sadd.s32 s1, s30  }
0xbc: {  	s0 =	sor.u32 s3, s0;
	s1 =	sshll.u32 s1, $0x11  }
0xbd: {  	s0 =	sor.u32 s1, s0  }
0xbe: {  	s0 =	sadd.s32 $0x8F2B, s0  }
0xbf: {  	[sflag:s0] =	ssyncadd.remote.s32 $0x1  }
0xc0: {  	_ =	sfence.sel $0xFFFF  }
0xc1: {  	[dreg:$0x0] =	wrdreg $0xFFFFFFFF;
	(pc) =	sbr.abs _section_cstart, $3  }
0xc2: {  	[dreg:$0x1] =	wrdreg $0xFFFFFFFF  }
0xc3: {  	_ =	task.clear_ibuf [dreg:s8], $0x2FFFF;
	_ =	strace $0x9FFFFFFF  }
0xc4: {  	(tm) =	ssettm $0x7FFFFFFF  }
0xc5: {  	_ =	shalt  }
tec
execute0_lowered:
.L_overlay_start_1:
0x0: {  	(tag) =	ssettag $0x1  }
0x1: {  	s0 =	srdreg.scid  }
0x2: {  	s10 =	rddreg [dreg:$0x0];
	s4 =	sand.u32 $0x1, s0  }
0x3: {  	s2 =	rddreg [dreg:$0x1];
	s0 =	stileid.u32;
	s1 =	sshll.u32 s4, $0x4  }
0x4: {  	s5 =	rddreg [dreg:$0x2];
	s6 =	sor.u32 s0, s1  }
0x5: {  	s3 =	simm.s32 $0x0;
	s18 =	simm.s32 $0x2;
	s7 =	smul.u32 $0x32, s6  }
0x6: {  	s19 =	simm.s32 $0x0;
	s8 =	smul.u32 $0x1900, s6;
	s9 =	sor.u32 $0x20, s6  }
0x7: {  	[smem:$0x7FF] =	sst s3;
	s11 =	sadd.s32 $0x2A00, s5;
	s12 =	smul.u32 $0x32, s9  }
0x8: {  	s4 =	ssub.s32 $0x2, s4;
	s30 =	sor.u32 $0x40, s6;
	s9 =	smul.u32 $0x1900, s9  }
0x9: {  	s1 =	rddreg [dreg:$0x3];
	s6 =	smin.u32 s6, $0x1C;
	s14 =	smul.u32 $0x32, s30  }
0xa: {  	s13 =	sshrl.u32 s4, $0x1;
	s15 =	smul.u32 $0x1900, s30;
	s16 =	sor.u32 $0x60, s6  }
0xb: {  	_ =	strace $0x80000047;
	s13 =	ssub.s32 s4, s13;
	s17 =	smul.u32 $0x32, s16  }
0xc: {  	s4 =	sadd.s32 s10, s7;
	s5 =	sadd.s32 s11, s8;
	s31 =	smul.u32 $0x1900, s16  }
0xd: {  	s16 =	simm.s32 $0xD000;
	s6 =	sadd.s32 s10, s12;
	s7 =	sadd.s32 s11, s9  }
0xe: {  	s8 =	sadd.s32 s10, s14;
	s9 =	sadd.s32 s11, s15;
	s12 =	smax.u32 s13, $0x1  }
0xf: {  	s13 =	simm.s32 $0x200;
	s14 =	simm.s32 $0x3;
	s15 =	simm.s32 $0x800  }
0x10: {  	s10 =	sadd.s32 s10, s17;
	s11 =	sadd.s32 s11, s31;
	s17 =	simm.s32 $0x1  }
.LBB2_1:
0x11: {  	[tilespmem:s13], [sflag:$0x3] =	stream.linear.gather [hbm4b:s2+s3], $0x600, $0x38;
	[tilespmem:$0x19800] =	vst v63  }
0x12: {  	_ =	swait.ge [sflag:s14], $0x600  }
0x13: {  	[sflag:s14] =	ssyncset.done $0x0  }
0x14: {  	[sflag:s14] =	ssyncadd.s32 $0xFFFFFA00  }
0x15: {  	[tilespmem:s3], [sflag:$0x3] =	stream.linear.gather [hbm4b:s4+s3], $0x190, $0x38;
	[tilespmem:$0x19800] =	vst v63  }
0x16: {  	_ =	swait.ge [sflag:s14], $0x190  }
0x17: {  	[sflag:s14] =	ssyncset.done $0x0  }
0x18: {  	[sflag:s14] =	ssyncadd.s32 $0xFFFFFE70  }
0x19: {  	v0 =	vld [tilespmem:$0x0];
	_ =	sdelay $0x4  }
0x1a: {  	(v2sf) =	vpush v0, $0x0;
	_ =	sdelay $0xd  }
0x1b: {  	s31 =	simm.s32 $0x1  }
0x1c: {  	v63 =	vld [tilespmem:s31+$0x0];
	s20 =	spop (v2sf)  }
0x1d: {  	p1 =	slt.s32 s20, $0xA  }
0x1e: {  	p0 =	sgt.s32 s20, $0x3E8;
	s20 =	simm.s32 @!p1 $0xA  }
0x1f: {  	s21 =	sshll.u32 s20, $0x7  }
0x20: {  	s21 =	simm.s32 @p0 $0x580  }
0x21: {  	(v2sf) =	vpush v63, $0x0;
	v1 =	vld [tilespmem:s21+$0x200]  }
0x22: {  	v2 =	vld [tilespmem:s21+$0x210]  }
0x23: {  	v3 =	vld [tilespmem:s21+$0x220]  }
0x24: {  	v4 =	vld [tilespmem:s21+$0x230]  }
0x25: {  	v5 =	vld [tilespmem:s21+$0x240]  }
0x26: {  	v6 =	vld [tilespmem:s21+$0x250]  }
0x27: {  	s20 =	simm.s32 $0x840;
	v7 =	vld [tilespmem:s21+$0x260]  }
0x28: {  	v8 =	vld [tilespmem:s21+$0x270];
	[tilespmem:s20+$0xFFFFFFC0] =	vst v1  }
0x29: {  	[tilespmem:s20+$0xFFFFFFD0] =	vst v2  }
0x2a: {  	[tilespmem:s20+$0xFFFFFFE0] =	vst v3  }
0x2b: {  	[tilespmem:s20+$0xFFFFFFF0] =	vst v4  }
0x2c: {  	[tilespmem:s20+$0x0] =	vst v5  }
0x2d: {  	[tilespmem:s20+$0x10] =	vst v6  }
0x2e: {  	[tilespmem:s20+$0x20] =	vst v7  }
0x2f: {  	s22 =	simm.s32 $0x2;
	s21 =	simm.s32 $0xC;
	[tilespmem:s20+$0x30] =	vst v8  }
.LBB2_2:
0x30: {  	p0 =	sne.s32 s21, $0x640;
	v0 =	vld [tilespmem:s22+$0x0];
	s22 =	spop (v2sf)  }
0x31: {  	p1 =	slt.s32 s22, $0xA;
	s23 =	smov.u32 s22  }
0x32: {  	s23 =	simm.s32 @!p1 $0xA  }
0x33: {  	p1 =	sgt.s32 s22, $0x3E8;
	s22 =	sshll.u32 s23, $0x7  }
0x34: {  	s22 =	simm.s32 @p1 $0x580  }
0x35: {  	v1 =	vld [tilespmem:s22+$0x200];
	(v2sf) =	vpush v0, $0x0  }
0x36: {  	v0 =	vld [tilespmem:s22+$0x210]  }
0x37: {  	v2 =	vld [tilespmem:s22+$0x220]  }
0x38: {  	v3 =	vld [tilespmem:s22+$0x230]  }
0x39: {  	v4 =	vld [tilespmem:s22+$0x240]  }
0x3a: {  	v5 =	vld [tilespmem:s22+$0x250]  }
0x3b: {  	s20 =	sadd.s32 $0x80, s20;
	v6 =	vld [tilespmem:s22+$0x260]  }
0x3c: {  	v7 =	vld [tilespmem:s22+$0x270];
	[tilespmem:s20+$0xFFFFFFC0] =	vst v1  }
0x3d: {  	[tilespmem:s20+$0xFFFFFFD0] =	vst v0  }
0x3e: {  	[tilespmem:s20+$0xFFFFFFE0] =	vst v2  }
.Ltmp0:
0x3f: {  	[tilespmem:s20+$0xFFFFFFF0] =	vst v3;
	(pc) =	sbr.rel @p0 .LBB2_2-.Ltmp0, $4  }
0x40: {  	[tilespmem:s20+$0x0] =	vst v4  }
0x41: {  	[tilespmem:s20+$0x10] =	vst v5  }
0x42: {  	[tilespmem:s20+$0x20] =	vst v6  }
0x43: {  	s22 =	sshra.s32 s21, $0x2;
	s21 =	sadd.s32 $0x4, s21;
	[tilespmem:s20+$0x30] =	vst v7  }
0x44: {  	s21 =	spop (v2sf)  }
0x45: {  	p0 =	slt.s32 s21, $0xA  }
0x46: {  	p1 =	sgt.s32 s21, $0x3E8;
	s21 =	simm.s32 @!p0 $0xA  }
0x47: {  	v0 =	vld [tilespmem:s22+$0x0];
	s21 =	sshll.u32 s21, $0x7  }
0x48: {  	s21 =	simm.s32 @p1 $0x580  }
0x49: {  	v1 =	vld [tilespmem:s21+$0x200]  }
0x4a: {  	v2 =	vld [tilespmem:s21+$0x210]  }
0x4b: {  	v54 =	vld [tilespmem:s21+$0x220]  }
0x4c: {  	(v2sf) =	vpush v0, $0x0;
	v3 =	vld [tilespmem:s21+$0x230]  }
0x4d: {  	v4 =	vld [tilespmem:s21+$0x240]  }
0x4e: {  	v5 =	vld [tilespmem:s21+$0x250]  }
0x4f: {  	s20 =	sadd.s32 $0x80, s20;
	v6 =	vld [tilespmem:s21+$0x260]  }
0x50: {  	v7 =	vld [tilespmem:s21+$0x270];
	[tilespmem:s20+$0xFFFFFFC0] =	vst v1  }
0x51: {  	[tilespmem:s20+$0xFFFFFFD0] =	vst v2  }
0x52: {  	[tilespmem:s20+$0xFFFFFFE0] =	vst v54  }
0x53: {  	[tilespmem:s20+$0xFFFFFFF0] =	vst v3  }
0x54: {  	[tilespmem:s20+$0x0] =	vst v4  }
0x55: {  	[tilespmem:s20+$0x10] =	vst v5  }
0x56: {  	[tilespmem:s20+$0x20] =	vst v6  }
0x57: {  	[tilespmem:s20+$0x30] =	vst v7  }
0x58: {  	[hbm4b:s5+s3] =	stream.linear.scatter [tilespmem:s15], [sflag:$0x1], $0xC800, $0x38;
	[tilespmem:$0x19800] =	vst v63  }
0x59: {  	_ = 	snop  }
0x5a: {  	[tilespmem:s3], [sflag:$0x3] =	stream.linear.gather [hbm4b:s6+s3], $0x190, $0x38;
	[tilespmem:$0x19800] =	vst v63  }
0x5b: {  	s30 =	spop (v2sf)  }
0x5c: {  	_ =	swait.ge [sflag:s14], $0x190  }
0x5d: {  	[sflag:s14] =	ssyncset.done $0x0  }
0x5e: {  	[sflag:s14] =	ssyncadd.s32 $0xFFFFFE70  }
0x5f: {  	v55 =	vld [tilespmem:$0x0];
	_ =	sdelay $0x4  }
0x60: {  	(v2sf) =	vpush v55, $0x0;
	_ =	sdelay $0xd  }
0x61: {  	s31 =	simm.s32 $0x1  }
0x62: {  	v56 =	vld [tilespmem:s31+$0x0];
	s20 =	spop (v2sf)  }
0x63: {  	p1 =	slt.s32 s20, $0xA  }
0x64: {  	p0 =	sgt.s32 s20, $0x3E8;
	s20 =	simm.s32 @!p1 $0xA  }
0x65: {  	s21 =	sshll.u32 s20, $0x7  }
0x66: {  	s21 =	simm.s32 @p0 $0x580  }
0x67: {  	(v2sf) =	vpush v56, $0x0;
	v57 =	vld [tilespmem:s21+$0x200]  }
0x68: {  	v58 =	vld [tilespmem:s21+$0x210]  }
0x69: {  	v59 =	vld [tilespmem:s21+$0x220]  }
0x6a: {  	v60 =	vld [tilespmem:s21+$0x230]  }
0x6b: {  	v61 =	vld [tilespmem:s21+$0x240]  }
0x6c: {  	v62 =	vld [tilespmem:s21+$0x250]  }
0x6d: {  	s20 =	simm.s32 $0xD040;
	v63 =	vld [tilespmem:s21+$0x260]  }
0x6e: {  	v8 =	vld [tilespmem:s21+$0x270];
	[tilespmem:s20+$0xFFFFFFC0] =	vst v57  }
0x6f: {  	[tilespmem:s20+$0xFFFFFFD0] =	vst v58  }
0x70: {  	[tilespmem:s20+$0xFFFFFFE0] =	vst v59  }
0x71: {  	[tilespmem:s20+$0xFFFFFFF0] =	vst v60  }
0x72: {  	[tilespmem:s20+$0x0] =	vst v61  }
0x73: {  	[tilespmem:s20+$0x10] =	vst v62  }
0x74: {  	[tilespmem:s20+$0x20] =	vst v63  }
0x75: {  	s22 =	simm.s32 $0x2;
	s21 =	simm.s32 $0xC;
	[tilespmem:s20+$0x30] =	vst v8  }
.LBB2_4:
0x76: {  	p0 =	sne.s32 s21, $0x640;
	v0 =	vld [tilespmem:s22+$0x0];
	s22 =	spop (v2sf)  }
0x77: {  	p1 =	slt.s32 s22, $0xA;
	s23 =	smov.u32 s22  }
0x78: {  	s23 =	simm.s32 @!p1 $0xA  }
0x79: {  	p1 =	sgt.s32 s22, $0x3E8;
	s22 =	sshll.u32 s23, $0x7  }
0x7a: {  	s22 =	simm.s32 @p1 $0x580  }
0x7b: {  	v1 =	vld [tilespmem:s22+$0x200];
	(v2sf) =	vpush v0, $0x0  }
0x7c: {  	v0 =	vld [tilespmem:s22+$0x210]  }
0x7d: {  	v2 =	vld [tilespmem:s22+$0x220]  }
0x7e: {  	v3 =	vld [tilespmem:s22+$0x230]  }
0x7f: {  	v4 =	vld [tilespmem:s22+$0x240]  }
0x80: {  	v5 =	vld [tilespmem:s22+$0x250]  }
0x81: {  	s20 =	sadd.s32 $0x80, s20;
	v6 =	vld [tilespmem:s22+$0x260]  }
0x82: {  	v7 =	vld [tilespmem:s22+$0x270];
	[tilespmem:s20+$0xFFFFFFC0] =	vst v1  }
0x83: {  	[tilespmem:s20+$0xFFFFFFD0] =	vst v0  }
0x84: {  	[tilespmem:s20+$0xFFFFFFE0] =	vst v2  }
.Ltmp1:
0x85: {  	[tilespmem:s20+$0xFFFFFFF0] =	vst v3;
	(pc) =	sbr.rel @p0 .LBB2_4-.Ltmp1, $4  }
0x86: {  	[tilespmem:s20+$0x0] =	vst v4  }
0x87: {  	[tilespmem:s20+$0x10] =	vst v5  }
0x88: {  	[tilespmem:s20+$0x20] =	vst v6  }
0x89: {  	s22 =	sshra.s32 s21, $0x2;
	s21 =	sadd.s32 $0x4, s21;
	[tilespmem:s20+$0x30] =	vst v7  }
0x8a: {  	s21 =	spop (v2sf)  }
0x8b: {  	p0 =	slt.s32 s21, $0xA  }
0x8c: {  	p1 =	sgt.s32 s21, $0x3E8;
	s21 =	simm.s32 @!p0 $0xA  }
0x8d: {  	v0 =	vld [tilespmem:s22+$0x0];
	s21 =	sshll.u32 s21, $0x7  }
0x8e: {  	s21 =	simm.s32 @p1 $0x580  }
0x8f: {  	v1 =	vld [tilespmem:s21+$0x200]  }
0x90: {  	v2 =	vld [tilespmem:s21+$0x210]  }
0x91: {  	v54 =	vld [tilespmem:s21+$0x220]  }
0x92: {  	(v2sf) =	vpush v0, $0x0;
	v3 =	vld [tilespmem:s21+$0x230]  }
0x93: {  	v4 =	vld [tilespmem:s21+$0x240]  }
0x94: {  	v5 =	vld [tilespmem:s21+$0x250]  }
0x95: {  	s20 =	sadd.s32 $0x80, s20;
	v6 =	vld [tilespmem:s21+$0x260]  }
0x96: {  	v7 =	vld [tilespmem:s21+$0x270];
	[tilespmem:s20+$0xFFFFFFC0] =	vst v1  }
0x97: {  	[tilespmem:s20+$0xFFFFFFD0] =	vst v2  }
0x98: {  	[tilespmem:s20+$0xFFFFFFE0] =	vst v54  }
0x99: {  	[tilespmem:s20+$0xFFFFFFF0] =	vst v3  }
0x9a: {  	[tilespmem:s20+$0x0] =	vst v4  }
0x9b: {  	[tilespmem:s20+$0x10] =	vst v5  }
0x9c: {  	[tilespmem:s20+$0x20] =	vst v6  }
0x9d: {  	[tilespmem:s20+$0x30] =	vst v7  }
0x9e: {  	[hbm4b:s7+s3] =	stream.linear.scatter [tilespmem:s16], [sflag:$0x2], $0xC800, $0x38;
	[tilespmem:$0x19800] =	vst v63  }
0x9f: {  	_ = 	snop  }
0xa0: {  	[tilespmem:s3], [sflag:$0x3] =	stream.linear.gather [hbm4b:s8+s3], $0x190, $0x38;
	[tilespmem:$0x19800] =	vst v63  }
0xa1: {  	s30 =	spop (v2sf)  }
0xa2: {  	_ =	swait.ge [sflag:s14], $0x190  }
0xa3: {  	[sflag:s14] =	ssyncset.done $0x0  }
0xa4: {  	[sflag:s14] =	ssyncadd.s32 $0xFFFFFE70  }
0xa5: {  	_ =	swait.ge [sflag:s17], $0xC800  }
0xa6: {  	[sflag:s17] =	ssyncset.done $0x0  }
0xa7: {  	[sflag:s17] =	ssyncadd.s32 $0xFFFF3800  }
0xa8: {  	v55 =	vld [tilespmem:$0x0];
	_ =	sdelay $0x4  }
0xa9: {  	(v2sf) =	vpush v55, $0x0;
	_ =	sdelay $0xd  }
0xaa: {  	s31 =	simm.s32 $0x1  }
0xab: {  	v56 =	vld [tilespmem:s31+$0x0];
	s20 =	spop (v2sf)  }
0xac: {  	p1 =	slt.s32 s20, $0xA  }
0xad: {  	p0 =	sgt.s32 s20, $0x3E8;
	s20 =	simm.s32 @!p1 $0xA  }
0xae: {  	s21 =	sshll.u32 s20, $0x7  }
0xaf: {  	s21 =	simm.s32 @p0 $0x580  }
0xb0: {  	(v2sf) =	vpush v56, $0x0;
	v57 =	vld [tilespmem:s21+$0x200]  }
0xb1: {  	v58 =	vld [tilespmem:s21+$0x210]  }
0xb2: {  	v59 =	vld [tilespmem:s21+$0x220]  }
0xb3: {  	v60 =	vld [tilespmem:s21+$0x230]  }
0xb4: {  	v61 =	vld [tilespmem:s21+$0x240]  }
0xb5: {  	v62 =	vld [tilespmem:s21+$0x250]  }
0xb6: {  	s20 =	simm.s32 $0x840;
	v63 =	vld [tilespmem:s21+$0x260]  }
0xb7: {  	v8 =	vld [tilespmem:s21+$0x270];
	[tilespmem:s20+$0xFFFFFFC0] =	vst v57  }
0xb8: {  	[tilespmem:s20+$0xFFFFFFD0] =	vst v58  }
0xb9: {  	[tilespmem:s20+$0xFFFFFFE0] =	vst v59  }
0xba: {  	[tilespmem:s20+$0xFFFFFFF0] =	vst v60  }
0xbb: {  	[tilespmem:s20+$0x0] =	vst v61  }
0xbc: {  	[tilespmem:s20+$0x10] =	vst v62  }
0xbd: {  	[tilespmem:s20+$0x20] =	vst v63  }
0xbe: {  	s22 =	simm.s32 $0x2;
	s21 =	simm.s32 $0xC;
	[tilespmem:s20+$0x30] =	vst v8  }
.LBB2_6:
0xbf: {  	p0 =	sne.s32 s21, $0x640;
	v0 =	vld [tilespmem:s22+$0x0];
	s22 =	spop (v2sf)  }
0xc0: {  	p1 =	slt.s32 s22, $0xA;
	s23 =	smov.u32 s22  }
0xc1: {  	s23 =	simm.s32 @!p1 $0xA  }
0xc2: {  	p1 =	sgt.s32 s22, $0x3E8;
	s22 =	sshll.u32 s23, $0x7  }
0xc3: {  	s22 =	simm.s32 @p1 $0x580  }
0xc4: {  	v1 =	vld [tilespmem:s22+$0x200];
	(v2sf) =	vpush v0, $0x0  }
0xc5: {  	v0 =	vld [tilespmem:s22+$0x210]  }
0xc6: {  	v2 =	vld [tilespmem:s22+$0x220]  }
0xc7: {  	v3 =	vld [tilespmem:s22+$0x230]  }
0xc8: {  	v4 =	vld [tilespmem:s22+$0x240]  }
0xc9: {  	v5 =	vld [tilespmem:s22+$0x250]  }
0xca: {  	s20 =	sadd.s32 $0x80, s20;
	v6 =	vld [tilespmem:s22+$0x260]  }
0xcb: {  	v7 =	vld [tilespmem:s22+$0x270];
	[tilespmem:s20+$0xFFFFFFC0] =	vst v1  }
0xcc: {  	[tilespmem:s20+$0xFFFFFFD0] =	vst v0  }
0xcd: {  	[tilespmem:s20+$0xFFFFFFE0] =	vst v2  }
.Ltmp2:
0xce: {  	[tilespmem:s20+$0xFFFFFFF0] =	vst v3;
	(pc) =	sbr.rel @p0 .LBB2_6-.Ltmp2, $4  }
0xcf: {  	[tilespmem:s20+$0x0] =	vst v4  }
0xd0: {  	[tilespmem:s20+$0x10] =	vst v5  }
0xd1: {  	[tilespmem:s20+$0x20] =	vst v6  }
0xd2: {  	s22 =	sshra.s32 s21, $0x2;
	s21 =	sadd.s32 $0x4, s21;
	[tilespmem:s20+$0x30] =	vst v7  }
0xd3: {  	s21 =	spop (v2sf)  }
0xd4: {  	p0 =	slt.s32 s21, $0xA  }
0xd5: {  	p1 =	sgt.s32 s21, $0x3E8;
	s21 =	simm.s32 @!p0 $0xA  }
0xd6: {  	v0 =	vld [tilespmem:s22+$0x0];
	s21 =	sshll.u32 s21, $0x7  }
0xd7: {  	s21 =	simm.s32 @p1 $0x580  }
0xd8: {  	v1 =	vld [tilespmem:s21+$0x200]  }
0xd9: {  	v2 =	vld [tilespmem:s21+$0x210]  }
0xda: {  	v54 =	vld [tilespmem:s21+$0x220]  }
0xdb: {  	(v2sf) =	vpush v0, $0x0;
	v3 =	vld [tilespmem:s21+$0x230]  }
0xdc: {  	v4 =	vld [tilespmem:s21+$0x240]  }
0xdd: {  	v5 =	vld [tilespmem:s21+$0x250]  }
0xde: {  	s20 =	sadd.s32 $0x80, s20;
	v6 =	vld [tilespmem:s21+$0x260]  }
0xdf: {  	v7 =	vld [tilespmem:s21+$0x270];
	[tilespmem:s20+$0xFFFFFFC0] =	vst v1  }
0xe0: {  	[tilespmem:s20+$0xFFFFFFD0] =	vst v2  }
0xe1: {  	[tilespmem:s20+$0xFFFFFFE0] =	vst v54  }
0xe2: {  	[tilespmem:s20+$0xFFFFFFF0] =	vst v3  }
0xe3: {  	[tilespmem:s20+$0x0] =	vst v4  }
0xe4: {  	[tilespmem:s20+$0x10] =	vst v5  }
0xe5: {  	[tilespmem:s20+$0x20] =	vst v6  }
0xe6: {  	[tilespmem:s20+$0x30] =	vst v7  }
0xe7: {  	[hbm4b:s9+s3] =	stream.linear.scatter [tilespmem:s15], [sflag:$0x1], $0xC800, $0x38;
	[tilespmem:$0x19800] =	vst v63  }
0xe8: {  	_ = 	snop  }
0xe9: {  	[tilespmem:s3], [sflag:$0x3] =	stream.linear.gather [hbm4b:s10+s3], $0x190, $0x38;
	[tilespmem:$0x19800] =	vst v63  }
0xea: {  	s30 =	spop (v2sf)  }
0xeb: {  	_ =	swait.ge [sflag:s14], $0x190  }
0xec: {  	[sflag:s14] =	ssyncset.done $0x0  }
0xed: {  	[sflag:s14] =	ssyncadd.s32 $0xFFFFFE70  }
0xee: {  	_ =	swait.ge [sflag:s18], $0xC800  }
0xef: {  	[sflag:s18] =	ssyncset.done $0x0  }
0xf0: {  	[sflag:s18] =	ssyncadd.s32 $0xFFFF3800  }
0xf1: {  	v55 =	vld [tilespmem:$0x0];
	_ =	sdelay $0x4  }
0xf2: {  	(v2sf) =	vpush v55, $0x0;
	_ =	sdelay $0xd  }
0xf3: {  	s31 =	simm.s32 $0x1  }
0xf4: {  	v56 =	vld [tilespmem:s31+$0x0];
	s20 =	spop (v2sf)  }
0xf5: {  	p1 =	slt.s32 s20, $0xA  }
0xf6: {  	p0 =	sgt.s32 s20, $0x3E8;
	s20 =	simm.s32 @!p1 $0xA  }
0xf7: {  	s21 =	sshll.u32 s20, $0x7  }
0xf8: {  	s21 =	simm.s32 @p0 $0x580  }
0xf9: {  	(v2sf) =	vpush v56, $0x0;
	v57 =	vld [tilespmem:s21+$0x200]  }
0xfa: {  	v58 =	vld [tilespmem:s21+$0x210]  }
0xfb: {  	v59 =	vld [tilespmem:s21+$0x220]  }
0xfc: {  	v60 =	vld [tilespmem:s21+$0x230]  }
0xfd: {  	v61 =	vld [tilespmem:s21+$0x240]  }
0xfe: {  	v62 =	vld [tilespmem:s21+$0x250]  }
0xff: {  	s20 =	simm.s32 $0xD040;
	v63 =	vld [tilespmem:s21+$0x260]  }
0x100: {  	v8 =	vld [tilespmem:s21+$0x270];
	[tilespmem:s20+$0xFFFFFFC0] =	vst v57  }
0x101: {  	[tilespmem:s20+$0xFFFFFFD0] =	vst v58  }
0x102: {  	[tilespmem:s20+$0xFFFFFFE0] =	vst v59  }
0x103: {  	[tilespmem:s20+$0xFFFFFFF0] =	vst v60  }
0x104: {  	[tilespmem:s20+$0x0] =	vst v61  }
0x105: {  	[tilespmem:s20+$0x10] =	vst v62  }
0x106: {  	[tilespmem:s20+$0x20] =	vst v63  }
0x107: {  	s22 =	simm.s32 $0x2;
	s21 =	simm.s32 $0xC;
	[tilespmem:s20+$0x30] =	vst v8  }
.LBB2_8:
0x108: {  	p0 =	sne.s32 s21, $0x640;
	v0 =	vld [tilespmem:s22+$0x0];
	s22 =	spop (v2sf)  }
0x109: {  	p1 =	slt.s32 s22, $0xA;
	s23 =	smov.u32 s22  }
0x10a: {  	s23 =	simm.s32 @!p1 $0xA  }
0x10b: {  	p1 =	sgt.s32 s22, $0x3E8;
	s22 =	sshll.u32 s23, $0x7  }
0x10c: {  	s22 =	simm.s32 @p1 $0x580  }
0x10d: {  	v1 =	vld [tilespmem:s22+$0x200];
	(v2sf) =	vpush v0, $0x0  }
0x10e: {  	v0 =	vld [tilespmem:s22+$0x210]  }
0x10f: {  	v2 =	vld [tilespmem:s22+$0x220]  }
0x110: {  	v3 =	vld [tilespmem:s22+$0x230]  }
0x111: {  	v4 =	vld [tilespmem:s22+$0x240]  }
0x112: {  	v5 =	vld [tilespmem:s22+$0x250]  }
0x113: {  	s20 =	sadd.s32 $0x80, s20;
	v6 =	vld [tilespmem:s22+$0x260]  }
0x114: {  	v7 =	vld [tilespmem:s22+$0x270];
	[tilespmem:s20+$0xFFFFFFC0] =	vst v1  }
0x115: {  	[tilespmem:s20+$0xFFFFFFD0] =	vst v0  }
0x116: {  	[tilespmem:s20+$0xFFFFFFE0] =	vst v2  }
.Ltmp3:
0x117: {  	[tilespmem:s20+$0xFFFFFFF0] =	vst v3;
	(pc) =	sbr.rel @p0 .LBB2_8-.Ltmp3, $4  }
0x118: {  	[tilespmem:s20+$0x0] =	vst v4  }
0x119: {  	[tilespmem:s20+$0x10] =	vst v5  }
0x11a: {  	[tilespmem:s20+$0x20] =	vst v6  }
0x11b: {  	s22 =	sshra.s32 s21, $0x2;
	s21 =	sadd.s32 $0x4, s21;
	[tilespmem:s20+$0x30] =	vst v7  }
0x11c: {  	s21 =	spop (v2sf)  }
0x11d: {  	v0 =	vld [tilespmem:s22+$0x0];
	p0 =	slt.s32 s21, $0xA  }
0x11e: {  	p1 =	sgt.s32 s21, $0x3E8;
	s21 =	simm.s32 @!p0 $0xA  }
0x11f: {  	s21 =	sshll.u32 s21, $0x7  }
0x120: {  	s21 =	simm.s32 @p1 $0x580  }
0x121: {  	v1 =	vld [tilespmem:s21+$0x200]  }
0x122: {  	(v2sf) =	vpush v0, $0x0;
	v63 =	vld [tilespmem:s21+$0x210]  }
0x123: {  	v2 =	vld [tilespmem:s21+$0x220]  }
0x124: {  	v3 =	vld [tilespmem:s21+$0x230]  }
0x125: {  	v4 =	vld [tilespmem:s21+$0x240]  }
0x126: {  	v5 =	vld [tilespmem:s21+$0x250]  }
0x127: {  	s20 =	sadd.s32 $0x80, s20;
	v6 =	vld [tilespmem:s21+$0x260]  }
0x128: {  	v7 =	vld [tilespmem:s21+$0x270];
	[tilespmem:s20+$0xFFFFFFC0] =	vst v1  }
0x129: {  	[tilespmem:s20+$0xFFFFFFD0] =	vst v63  }
0x12a: {  	[tilespmem:s20+$0xFFFFFFE0] =	vst v2  }
0x12b: {  	[tilespmem:s20+$0xFFFFFFF0] =	vst v3  }
0x12c: {  	[tilespmem:s20+$0x0] =	vst v4  }
0x12d: {  	[tilespmem:s20+$0x10] =	vst v5  }
0x12e: {  	[tilespmem:s20+$0x20] =	vst v6  }
0x12f: {  	[tilespmem:s20+$0x30] =	vst v7  }
0x130: {  	[hbm4b:s11+s3] =	stream.linear.scatter [tilespmem:s16], [sflag:$0x2], $0xC800, $0x38;
	[tilespmem:$0x19800] =	vst v63  }
0x131: {  	s19 =	sadd.s32 $0x1, s19;
	s31 =	spop (v2sf)  }
0x132: {  	p0 =	sne.s32 s19, s12;
	_ =	swait.ge [sflag:s17], $0xC800  }
.Ltmp4:
0x133: {  	[sflag:s17] =	ssyncset.done $0x0;
	(pc) =	sbr.rel @p0 .LBB2_1-.Ltmp4, $4  }
0x134: {  	[sflag:s17] =	ssyncadd.s32 $0xFFFF3800  }
0x135: {  	_ =	swait.ge [sflag:s18], $0xC800  }
0x136: {  	[sflag:s18] =	ssyncset.done $0x0  }
0x137: {  	[sflag:s18] =	ssyncadd.s32 $0xFFFF3800  }
0x138: {  	_ =	sfence.sel $0x180000  }
0x139: {  	[bflag:$0x0] =	sbarrier.arrive $0xFFFF  }
0x13a: {  	p0 =	sne.s32 s0, $0x0;
	_ =	strace $0x90000047  }
0x13b: {  	s0 =	sadd.s32 @!p0 $0x100000, s1;
	[bflag:$0x2] =	sbarrier.arrive $0xFFFF  }
0x13c: {  	[sflag:s0] =	ssyncadd.tile.s32 @!p0 $0x1;
	_ =	shalt  }
.Lfunc_end2:
_tile_overlayer_lowered:
.L_overlay_start_2:
0x13d: {  	(tag) =	ssettag $0x2  }
0x13e: {  	s0 =	rddreg [dreg:$0x0];
	s2 =	stileid.u32  }
0x13f: {  	s1 =	rddreg [dreg:$0x1];
	p0 =	sne.s32 s2, $0x0  }
0x140: {  	s3 =	rddreg [dreg:$0x2];
	[bflag:$0x3] =	sbarrier.arrive $0xFFFF;
	s2 =	simm.s32 @!p0 $0x1C03  }
0x141: {  	[timem:s3], [sflag:s2] =	dma.local @!p0 [hbm:s0], s1  }
0x142: {  	s0 =	simm.s32 @!p0 $0x3  }
0x143: {  	_ =	swait.ge @!p0 [sflag:s0], s1  }
0x144: {  	s1 =	ssub.s32 @!p0 $0x0, s1;
	[sflag:s0] =	ssyncset.done @!p0 $0x0  }
0x145: {  	[sflag:s0] =	ssyncadd.s32 @!p0 s1  }
0x146: {  	[bflag:$0x3] =	sbarrier.arrive $0xFFFF  }
0x147: {  	_ =	shalt  }

// kernel: _run.9.cloned.1.call-start
scs
__scs_entry_jumppad:
0x0: {  	(pc) =	sbr.rel $0x88, $3  }
0x1: {  	(tag) =	ssettag $0x0;
	lr =	simm.s32 $0x1  }
0x2: {  	[smem:$0x3F9C] =	sst lr;
	_ =	strace $0xD0000000  }
0x3: {  	_ = 	snop  }
0x4: {  	_ = 	snop  }
0x5: {  	_ = 	snop  }
0x6: {  	_ = 	snop  }
0x7: {  	_ = 	snop  }
__scs_overlays_trampoline_lowered:
0x8: {  	[smem:$0x3FAB] =	sst s0  }
0x9: {  	[smem:$0x3FAC] =	sst s1  }
0xa: {  	[smem:$0x3FAD] =	sst s2  }
0xb: {  	[smem:$0x3FAE] =	sst s3  }
0xc: {  	[smem:$0x3FAF] =	sst s4  }
0xd: {  	[smem:$0x3FB0] =	sst s5  }
0xe: {  	[smem:$0x3FB1] =	sst s6  }
0xf: {  	[smem:$0x3FB2] =	sst s7  }
0x10: {  	[smem:$0x3FB3] =	sst s8  }
0x11: {  	[smem:$0x3FB4] =	sst s9;
	s0 =	simm.s32 @!p0 $0x0  }
0x12: {  	s1 =	sld [smem:$0x3F9A];
	s0 =	simm.s32 @p0 $0x1  }
0x13: {  	[smem:$0x3FB5] =	sst s0;
	s0 =	simm.s32 @!p1 $0x0  }
0x14: {  	s2 =	sld [smem:$0x3F99];
	s0 =	simm.s32 @p1 $0x1  }
0x15: {  	[smem:$0x3FB6] =	sst s0;
	s0 =	simm.s32 @!p2 $0x0  }
0x16: {  	s3 =	sld [smem:$0x3FDB];
	s0 =	simm.s32 @p2 $0x1  }
0x17: {  	s4 =	simm.s32 $0x1BF5;
	[smem:$0x3FB8] =	sst s0  }
0x18: {  	s0 =	sld [smem:$0x3F9B];
	_ =	swait.ge [sflag:s4], $0x0  }
0x19: {  	s7 =	sld [smem:$0x3F9C]  }
0x1a: {  	s8 =	sadd.s32 $0xFFFFE003, lr  }
0x1b: {  	s9 =	sadd.s32 $0xFFFFFEF7, lr;
	s5 =	simm.s32 $0xFFFFFFFF;
	p2 =	slt.u32 s8, $0xFFFFF086  }
0x1c: {  	p1 =	slt.u32 s9, $0xF7A;
	s5 =	simm.s32 @!p2 $0x0  }
0x1d: {  	s5 =	simm.s32 @p1 $0x1;
	p0 =	seq.s32 s7, s2  }
0x1e: {  	s7 =	smul.u32 @!p0 $0xF7A, s2;
	p2 =	seq.s32 @!p0 s5, $0x0  }
0x1f: {  	s9 =	smul.u32 $0xF7A, s1;
	s8 =	simm.s32 @!p0 $0x1BF5;
	p2 =	por !p2, p0  }
0x20: {  	[sflag:s8] =	ssyncset.s32 @!p0 $0xFFFFF086;
	s6 =	sadd.s32 @!p0 s3, s7;
	s7 =	simm.s32 @!p0 $0x108  }
0x21: {  	s3 =	sadd.s32 s3, s9;
	s6 =	sadd.s32 @!p0 $0x88, s6;
	s7 =	simm.s32 @p2 $0x1082  }
0x22: {  	[simem:s7], [sflag:s8] =	dma.local @!p0 [hbm:s6], $0xF7A  }
0x23: {  	s9 =	sor.u32 $0xD0000000, s2;
	s6 =	simm.s32 $0x108;
	_ =	swait.ge @!p0 [sflag:s8], $0x0  }
0x24: {  	s3 =	sadd.s32 $0x88, s3;
	s6 =	simm.s32 @!p1 $0x1082;
	[sflag:s4] =	ssyncset.s32 $0xFFFFF086  }
0x25: {  	[simem:s6], [sflag:s4] =	dma.local [hbm:s3], $0xF7A  }
0x26: {  	[smem:$0x3F9C] =	sst s1;
	(tag) =	ssettag s2;
	_ =	strace s9  }
0x27: {  	s1 =	sld [smem:$0x3FAC]  }
0x28: {  	s2 =	sld [smem:$0x3FAD]  }
0x29: {  	s4 =	sld [smem:$0x3FAF]  }
0x2a: {  	p0 =	seq.s32 s5, $0x0;
	s5 =	sld [smem:$0x3FB0]  }
0x2b: {  	s6 =	sld [smem:$0x3FB1]  }
0x2c: {  	s7 =	sld [smem:$0x3FB2]  }
0x2d: {  	s3 =	simm.s32 $0x108;
	s8 =	sld [smem:$0x3FB3]  }
0x2e: {  	s3 =	simm.s32 @!p0 $0x1082;
	s9 =	sld [smem:$0x3FB4]  }
0x2f: {  	lr =	sadd.s32 s0, s3;
	s0 =	sld [smem:$0x3FAB]  }
0x30: {  	s3 =	sld [smem:$0x3FAE]  }
0x31: {  	[smem:$0x3FB7] =	sst s10  }
0x32: {  	s10 =	sld [smem:$0x3FB5];
	_ =	sdelay $0x3  }
0x33: {  	p0 =	seq.s32 s10, $0x1;
	s10 =	sld [smem:$0x3FB7];
	_ =	sdelay $0x3  }
0x34: {  	[smem:$0x3FB7] =	sst s10  }
0x35: {  	s10 =	sld [smem:$0x3FB6];
	_ =	sdelay $0x3  }
0x36: {  	p1 =	seq.s32 s10, $0x1;
	s10 =	sld [smem:$0x3FB7];
	_ =	sdelay $0x3  }
0x37: {  	[smem:$0x3FB7] =	sst s10  }
0x38: {  	s10 =	sld [smem:$0x3FB8]  }
0x39: {  	_ = 	snop;
	(pc) =	sbr.ind lr, $3  }
0x3a: {  	_ = 	snop  }
0x3b: {  	_ = 	snop  }
0x3c: {  	p2 =	seq.s32 s10, $0x1;
	s10 =	sld [smem:$0x3FB7]  }
0x3d: {  	_ =	shalt  }
0x3e: {  	_ =	shalt  }
0x3f: {  	_ =	shalt  }
0x40: {  	_ =	shalt  }
0x41: {  	_ =	shalt  }
0x42: {  	_ =	shalt  }
0x43: {  	_ =	shalt  }
0x44: {  	_ =	shalt  }
0x45: {  	_ =	shalt  }
0x46: {  	_ =	shalt  }
0x47: {  	_ =	shalt  }
0x48: {  	_ =	shalt  }
0x49: {  	_ =	shalt  }
0x4a: {  	_ =	shalt  }
0x4b: {  	_ =	shalt  }
0x4c: {  	_ =	shalt  }
0x4d: {  	_ =	shalt  }
0x4e: {  	_ =	shalt  }
0x4f: {  	_ =	shalt  }
0x50: {  	_ =	shalt  }
0x51: {  	_ =	shalt  }
0x52: {  	_ =	shalt  }
0x53: {  	_ =	shalt  }
0x54: {  	_ =	shalt  }
0x55: {  	_ =	shalt  }
0x56: {  	_ =	shalt  }
0x57: {  	_ =	shalt  }
0x58: {  	_ =	shalt  }
0x59: {  	_ =	shalt  }
0x5a: {  	_ =	shalt  }
0x5b: {  	_ =	shalt  }
0x5c: {  	_ =	shalt  }
0x5d: {  	_ =	shalt  }
0x5e: {  	_ =	shalt  }
0x5f: {  	_ =	shalt  }
0x60: {  	_ =	shalt  }
0x61: {  	_ =	shalt  }
0x62: {  	_ =	shalt  }
0x63: {  	_ =	shalt  }
0x64: {  	_ =	shalt  }
0x65: {  	_ =	shalt  }
0x66: {  	_ =	shalt  }
0x67: {  	_ =	shalt  }
0x68: {  	_ =	shalt  }
0x69: {  	_ =	shalt  }
0x6a: {  	_ =	shalt  }
0x6b: {  	_ =	shalt  }
0x6c: {  	_ =	shalt  }
0x6d: {  	_ =	shalt  }
0x6e: {  	_ =	shalt  }
0x6f: {  	_ =	shalt  }
0x70: {  	_ =	shalt  }
0x71: {  	_ =	shalt  }
0x72: {  	_ =	shalt  }
0x73: {  	_ =	shalt  }
0x74: {  	_ =	shalt  }
0x75: {  	_ =	shalt  }
0x76: {  	_ =	shalt  }
0x77: {  	_ =	shalt  }
0x78: {  	_ =	shalt  }
0x79: {  	_ =	shalt  }
0x7a: {  	_ =	shalt  }
0x7b: {  	_ =	shalt  }
0x7c: {  	_ =	shalt  }
0x7d: {  	_ =	shalt  }
0x7e: {  	_ =	shalt  }
0x7f: {  	_ =	shalt  }
0x80: {  	_ =	shalt  }
0x81: {  	_ =	shalt  }
0x82: {  	_ =	shalt  }
0x83: {  	_ =	shalt  }
0x84: {  	_ =	shalt  }
0x85: {  	_ =	shalt  }
0x86: {  	_ =	shalt  }
0x87: {  	_ =	shalt  }
.Lfunc_end0:
.L_simem_size_0:
called_computation.1_lowered:
.L_overlay_start_0:
0x88: {  	s2 =	sld [smem:$0x3FD9]  }
0x89: {  	s3 =	sld [smem:$0x3FFE];
	_ =	sdelay $0x1  }
0x8a: {  	s1 =	srdreg.scid  }
0x8b: {  	s0 =	sand.u32 $0x1, s1  }
0x8c: {  	s17 =	sshll.u32 s0, $0xA;
	s2 =	sadd.s32 s3, s2  }
0x8d: {  	s2 =	sadd.s32 s2, s17  }
0x8e: {  	[smem:$0x3FC3] =	sst s2  }
0x8f: {  	_ = 	snop  }
0x90: {  	s18 =	sld [smem:$0x3FC5];
	(tm) =	ssettm $0x1  }
0x91: {  	s19 =	sld [smem:$0x3FFB];
	_ =	sdelay $0x3  }
0x92: {  	_ =	strace s19  }
0x93: {  	s2 =	sld [smem:$0x3FFC];
	_ =	sdelay $0x3  }
0x94: {  	_ =	strace s2  }
0x95: {  	s2 =	sld [smem:$0x3FFD];
	_ =	sdelay $0x3  }
0x96: {  	_ =	strace s2  }
0x97: {  	_ =	strace $0x8FFFFFFF  }
0x98: {  	s20 =	sld [smem:$0x3FDB];
	_ =	sdelay $0x1  }
0x99: {  	s4 =	simm.s32 $_scs_section_size  }
0x9a: {  	s5 =	simm.s32 $_size__tile_overlayer_lowered;
	s6 =	simm.s32 $_tile_overlayer_lowered  }
0x9b: {  	s7 =	simm.s32 $0x1BFF;
	s21 =	sshll.u32 s6, $0x1;
	s4 =	sadd.s32 s4, s20  }
0x9c: {  	s22 =	simm.s32 $0x0;
	s5 =	sshll.u32 s5, $0x1;
	s6 =	sadd.s32 s21, s4  }
0x9d: {  	[timem:s22], [sflag:s7] =	dma.local [hbm:s6], s5  }
0x9e: {  	_ =	swait.ge [sflag:s7], s5  }
0x9f: {  	s5 =	ssub.s32 $0x0, s5;
	[sflag:s7] =	ssyncset.done $0x0  }
0xa0: {  	[sflag:s7] =	ssyncadd.s32 s5;
	_ =	sdelay $0x1  }
0xa1: {  	s23 =	simm.s32 $0x1B8B  }
0xa2: {  	_ =	swait.ge [sflag:s23], $0x1  }
0xa3: {  	[sflag:s23] =	ssyncset.done $0x0  }
0xa4: {  	[sflag:s23] =	ssyncadd.s32 $0xFFFFFFFF  }
0xa5: {  	s5 =	sld [smem:$0x0]  }
0xa6: {  	s6 =	sand.u32 $0xFFFFFFFE, s1  }
0xa7: {  	p0 =	sne.s32 s1, s6  }
0xa8: {  	s6 =	sshll.u32 @p0 s6, $0xE  }
0xa9: {  	s6 =	sadd.s32 @p0 $0x11B8D, s6;
	s7 =	sshll.u32 @p0 s5, $0x11  }
0xaa: {  	s6 =	sor.u32 @p0 s7, s6  }
0xab: {  	[sflag:s6] =	ssyncadd.remote.s32 @p0 $0x1;
	_ =	sdelay $0x1  }
0xac: {  	s6 =	simm.s32 @p0 $0x1B8D  }
0xad: {  	_ =	swait.eq @p0 [sflag:s6], $0x1  }
0xae: {  	[sflag:s6] =	ssyncadd.s32 @p0 $0xFFFFFFFF  }
0xaf: {  	s7 =	sshll.u32 @!p0 s1, $0xE  }
0xb0: {  	s7 =	sor.u32 @!p0 $0x4000, s7;
	s6 =	simm.s32 @!p0 $0x1B8D  }
0xb1: {  	s5 =	sshll.u32 @!p0 s5, $0x11;
	s7 =	sadd.s32 @!p0 $0x11B8D, s7;
	_ =	swait.eq @!p0 [sflag:s6], $0x1  }
0xb2: {  	s5 =	sor.u32 @!p0 s5, s7;
	[sflag:s6] =	ssyncadd.s32 @!p0 $0xFFFFFFFF  }
0xb3: {  	s25 =	simm.s32 $0x1B8E;
	s24 =	sld [smem:$0x3FFE];
	[sflag:s5] =	ssyncadd.remote.s32 @!p0 $0x1  }
0xb4: {  	s26 =	simm.s32 $execute0_lowered;
	[smem:$0x3FD2] =	sst s25  }
0xb5: {  	s6 =	sshll.u32 s26, $0x1;
	_ =	strace $0x80000049;
	[dreg:$0x1] =	wrdreg $0xFFFFFFFF  }
0xb6: {  	s28 =	simm.s32 $_size_execute0_lowered;
	s4 =	sadd.s32 s4, s6;
	[dreg:$0x0] =	wrdreg $0x0  }
0xb7: {  	s6 =	sshll.u32 s28, $0x1;
	[dreg:$0x2] =	wrdreg s4  }
0xb8: {  	[dreg:$0x3] =	wrdreg s6  }
0xb9: {  	[dreg:$0x4] =	wrdreg $0xC0  }
0xba: {  	_ =	task [dreg:s22], $0x5FFFF  }
0xbb: {  	[dreg:$0x1] =	wrdreg $0xFFFFFFFF  }
0xbc: {  	[dreg:$0x0] =	wrdreg $0x60  }
0xbd: {  	[dreg:$0x2] =	wrdreg s24  }
0xbe: {  	[dreg:$0x3] =	wrdreg s18  }
0xbf: {  	[dreg:$0x4] =	wrdreg $0xA  }
0xc0: {  	_ =	task.clear_ibuf [dreg:s22], $0x5FFFF;
	_ =	strace $0x90000049  }
0xc1: {  	s29 =	simm.s32 $0xA;
	_ =	strace $0x8000004B  }
0xc2: {  	_ =	swait.ge [sflag:s29], $0x1  }
0xc3: {  	[sflag:s29] =	ssyncadd.s32 $0xFFFFFFFF  }
0xc4: {  	_ =	strace $0x9000004B  }
0xc5: {  	_ =	sfence  }
0xc6: {  	s30 =	sld [smem:$0x0];
	_ =	sdelay $0x2  }
0xc7: {  	s31 =	sshll.u32 s1, $0xD;
	s1 =	sshrl.u32 s1, $0x2  }
0xc8: {  	s4 =	sand.u32 $0x4000, s31;
	s1 =	sadd.s32 s1, s30  }
0xc9: {  	s0 =	sor.u32 s4, s0;
	s1 =	sshll.u32 s1, $0x11  }
0xca: {  	s0 =	sor.u32 s1, s0  }
0xcb: {  	s0 =	sadd.s32 $0x8F2B, s0  }
0xcc: {  	[sflag:s0] =	ssyncadd.remote.s32 $0x1  }
0xcd: {  	_ =	sfence.sel $0xFFFF  }
0xce: {  	[dreg:$0x0] =	wrdreg $0xFFFFFFFF;
	(pc) =	sbr.abs _section_cstart, $3  }
0xcf: {  	[dreg:$0x1] =	wrdreg $0xFFFFFFFF  }
0xd0: {  	_ =	task.clear_ibuf [dreg:s22], $0x2FFFF;
	_ =	strace $0x9FFFFFFF  }
0xd1: {  	(tm) =	ssettm $0x7FFFFFFF  }
tec
execute0_lowered:
.L_overlay_start_1:
0x0: {  	(tag) =	ssettag $0x1  }
0x1: {  	s0 =	srdreg.scid  }
0x2: {  	s5 =	sand.u32 $0x1, s0  }
0x3: {  	s4 =	rddreg [dreg:$0x0];
	s1 =	stileid.u32;
	s6 =	sshll.u32 s5, $0x4  }
0x4: {  	s2 =	rddreg [dreg:$0x1];
	s3 =	simm.s32 $0x0;
	s6 =	sor.u32 s1, s6  }
0x5: {  	s18 =	simm.s32 $0x2;
	s19 =	simm.s32 $0x0;
	s7 =	smul.u32 $0x32, s6  }
0x6: {  	s0 =	rddreg [dreg:$0x2];
	s8 =	smul.u32 $0x1900, s6;
	s9 =	sor.u32 $0x20, s6  }
0x7: {  	[smem:$0x7FF] =	sst s3;
	s10 =	sadd.s32 $0x1000, s4;
	s12 =	smul.u32 $0x32, s9  }
0x8: {  	s11 =	sadd.s32 $0xC6000, s4;
	s30 =	sor.u32 $0x40, s6;
	s9 =	smul.u32 $0x1900, s9  }
0x9: {  	s29 =	ssub.s32 $0x2, s5;
	s6 =	smin.u32 s6, $0x1C;
	s14 =	smul.u32 $0x32, s30  }
0xa: {  	s13 =	sshrl.u32 s29, $0x1;
	s15 =	smul.u32 $0x1900, s30;
	s16 =	sor.u32 $0x60, s6  }
0xb: {  	_ =	strace $0x8000004A;
	s13 =	ssub.s32 s29, s13;
	s17 =	smul.u32 $0x32, s16  }
0xc: {  	s4 =	sadd.s32 s10, s7;
	s5 =	sadd.s32 s11, s8;
	s31 =	smul.u32 $0x1900, s16  }
0xd: {  	s16 =	simm.s32 $0xD000;
	s6 =	sadd.s32 s10, s12;
	s7 =	sadd.s32 s11, s9  }
0xe: {  	s8 =	sadd.s32 s10, s14;
	s9 =	sadd.s32 s11, s15;
	s12 =	smax.u32 s13, $0x1  }
0xf: {  	s13 =	simm.s32 $0x200;
	s14 =	simm.s32 $0x3;
	s15 =	simm.s32 $0x800  }
0x10: {  	s10 =	sadd.s32 s10, s17;
	s11 =	sadd.s32 s11, s31;
	s17 =	simm.s32 $0x1  }
.LBB2_1:
0x11: {  	[tilespmem:s13], [sflag:$0x3] =	stream.linear.gather [hbm4b:s2+s3], $0x600, $0x38;
	[tilespmem:$0x19800] =	vst v63  }
0x12: {  	_ =	swait.ge [sflag:s14], $0x600  }
0x13: {  	[sflag:s14] =	ssyncset.done $0x0  }
0x14: {  	[sflag:s14] =	ssyncadd.s32 $0xFFFFFA00  }
0x15: {  	[tilespmem:s3], [sflag:$0x3] =	stream.linear.gather [hbm4b:s4+s3], $0x190, $0x38;
	[tilespmem:$0x19800] =	vst v63  }
0x16: {  	_ =	swait.ge [sflag:s14], $0x190  }
0x17: {  	[sflag:s14] =	ssyncset.done $0x0  }
0x18: {  	[sflag:s14] =	ssyncadd.s32 $0xFFFFFE70  }
0x19: {  	v0 =	vld [tilespmem:$0x0];
	_ =	sdelay $0x4  }
0x1a: {  	(v2sf) =	vpush v0, $0x0;
	_ =	sdelay $0xd  }
0x1b: {  	s31 =	simm.s32 $0x1  }
0x1c: {  	v63 =	vld [tilespmem:s31+$0x0];
	s20 =	spop (v2sf)  }
0x1d: {  	p1 =	slt.s32 s20, $0xA  }
0x1e: {  	p0 =	sgt.s32 s20, $0x3E8;
	s20 =	simm.s32 @!p1 $0xA  }
0x1f: {  	s21 =	sshll.u32 s20, $0x7  }
0x20: {  	s21 =	simm.s32 @p0 $0x580  }
0x21: {  	(v2sf) =	vpush v63, $0x0;
	v1 =	vld [tilespmem:s21+$0x200]  }
0x22: {  	v2 =	vld [tilespmem:s21+$0x210]  }
0x23: {  	v3 =	vld [tilespmem:s21+$0x220]  }
0x24: {  	v4 =	vld [tilespmem:s21+$0x230]  }
0x25: {  	v5 =	vld [tilespmem:s21+$0x240]  }
0x26: {  	v6 =	vld [tilespmem:s21+$0x250]  }
0x27: {  	s20 =	simm.s32 $0x840;
	v7 =	vld [tilespmem:s21+$0x260]  }
0x28: {  	v8 =	vld [tilespmem:s21+$0x270];
	[tilespmem:s20+$0xFFFFFFC0] =	vst v1  }
0x29: {  	[tilespmem:s20+$0xFFFFFFD0] =	vst v2  }
0x2a: {  	[tilespmem:s20+$0xFFFFFFE0] =	vst v3  }
0x2b: {  	[tilespmem:s20+$0xFFFFFFF0] =	vst v4  }
0x2c: {  	[tilespmem:s20+$0x0] =	vst v5  }
0x2d: {  	[tilespmem:s20+$0x10] =	vst v6  }
0x2e: {  	[tilespmem:s20+$0x20] =	vst v7  }
0x2f: {  	s22 =	simm.s32 $0x2;
	s21 =	simm.s32 $0xC;
	[tilespmem:s20+$0x30] =	vst v8  }
.LBB2_2:
0x30: {  	p0 =	sne.s32 s21, $0x640;
	v0 =	vld [tilespmem:s22+$0x0];
	s22 =	spop (v2sf)  }
0x31: {  	p1 =	slt.s32 s22, $0xA;
	s23 =	smov.u32 s22  }
0x32: {  	s23 =	simm.s32 @!p1 $0xA  }
0x33: {  	p1 =	sgt.s32 s22, $0x3E8;
	s22 =	sshll.u32 s23, $0x7  }
0x34: {  	s22 =	simm.s32 @p1 $0x580  }
0x35: {  	v1 =	vld [tilespmem:s22+$0x200];
	(v2sf) =	vpush v0, $0x0  }
0x36: {  	v0 =	vld [tilespmem:s22+$0x210]  }
0x37: {  	v2 =	vld [tilespmem:s22+$0x220]  }
0x38: {  	v3 =	vld [tilespmem:s22+$0x230]  }
0x39: {  	v4 =	vld [tilespmem:s22+$0x240]  }
0x3a: {  	v5 =	vld [tilespmem:s22+$0x250]  }
0x3b: {  	s20 =	sadd.s32 $0x80, s20;
	v6 =	vld [tilespmem:s22+$0x260]  }
0x3c: {  	v7 =	vld [tilespmem:s22+$0x270];
	[tilespmem:s20+$0xFFFFFFC0] =	vst v1  }
0x3d: {  	[tilespmem:s20+$0xFFFFFFD0] =	vst v0  }
0x3e: {  	[tilespmem:s20+$0xFFFFFFE0] =	vst v2  }
.Ltmp0:
0x3f: {  	[tilespmem:s20+$0xFFFFFFF0] =	vst v3;
	(pc) =	sbr.rel @p0 .LBB2_2-.Ltmp0, $4  }
0x40: {  	[tilespmem:s20+$0x0] =	vst v4  }
0x41: {  	[tilespmem:s20+$0x10] =	vst v5  }
0x42: {  	[tilespmem:s20+$0x20] =	vst v6  }
0x43: {  	s22 =	sshra.s32 s21, $0x2;
	s21 =	sadd.s32 $0x4, s21;
	[tilespmem:s20+$0x30] =	vst v7  }
0x44: {  	s21 =	spop (v2sf)  }
0x45: {  	p0 =	slt.s32 s21, $0xA  }
0x46: {  	p1 =	sgt.s32 s21, $0x3E8;
	s21 =	simm.s32 @!p0 $0xA  }
0x47: {  	v0 =	vld [tilespmem:s22+$0x0];
	s21 =	sshll.u32 s21, $0x7  }
0x48: {  	s21 =	simm.s32 @p1 $0x580  }
0x49: {  	v1 =	vld [tilespmem:s21+$0x200]  }
0x4a: {  	v2 =	vld [tilespmem:s21+$0x210]  }
0x4b: {  	v54 =	vld [tilespmem:s21+$0x220]  }
0x4c: {  	(v2sf) =	vpush v0, $0x0;
	v3 =	vld [tilespmem:s21+$0x230]  }
0x4d: {  	v4 =	vld [tilespmem:s21+$0x240]  }
0x4e: {  	v5 =	vld [tilespmem:s21+$0x250]  }
0x4f: {  	s20 =	sadd.s32 $0x80, s20;
	v6 =	vld [tilespmem:s21+$0x260]  }
0x50: {  	v7 =	vld [tilespmem:s21+$0x270];
	[tilespmem:s20+$0xFFFFFFC0] =	vst v1  }
0x51: {  	[tilespmem:s20+$0xFFFFFFD0] =	vst v2  }
0x52: {  	[tilespmem:s20+$0xFFFFFFE0] =	vst v54  }
0x53: {  	[tilespmem:s20+$0xFFFFFFF0] =	vst v3  }
0x54: {  	[tilespmem:s20+$0x0] =	vst v4  }
0x55: {  	[tilespmem:s20+$0x10] =	vst v5  }
0x56: {  	[tilespmem:s20+$0x20] =	vst v6  }
0x57: {  	[tilespmem:s20+$0x30] =	vst v7  }
0x58: {  	[hbm4b:s5+s3] =	stream.linear.scatter [tilespmem:s15], [sflag:$0x1], $0xC800, $0x38;
	[tilespmem:$0x19800] =	vst v63  }
0x59: {  	_ = 	snop  }
0x5a: {  	[tilespmem:s3], [sflag:$0x3] =	stream.linear.gather [hbm4b:s6+s3], $0x190, $0x38;
	[tilespmem:$0x19800] =	vst v63  }
0x5b: {  	s30 =	spop (v2sf)  }
0x5c: {  	_ =	swait.ge [sflag:s14], $0x190  }
0x5d: {  	[sflag:s14] =	ssyncset.done $0x0  }
0x5e: {  	[sflag:s14] =	ssyncadd.s32 $0xFFFFFE70  }
0x5f: {  	v55 =	vld [tilespmem:$0x0];
	_ =	sdelay $0x4  }
0x60: {  	(v2sf) =	vpush v55, $0x0;
	_ =	sdelay $0xd  }
0x61: {  	s31 =	simm.s32 $0x1  }
0x62: {  	v56 =	vld [tilespmem:s31+$0x0];
	s20 =	spop (v2sf)  }
0x63: {  	p1 =	slt.s32 s20, $0xA  }
0x64: {  	p0 =	sgt.s32 s20, $0x3E8;
	s20 =	simm.s32 @!p1 $0xA  }
0x65: {  	s21 =	sshll.u32 s20, $0x7  }
0x66: {  	s21 =	simm.s32 @p0 $0x580  }
0x67: {  	(v2sf) =	vpush v56, $0x0;
	v57 =	vld [tilespmem:s21+$0x200]  }
0x68: {  	v58 =	vld [tilespmem:s21+$0x210]  }
0x69: {  	v59 =	vld [tilespmem:s21+$0x220]  }
0x6a: {  	v60 =	vld [tilespmem:s21+$0x230]  }
0x6b: {  	v61 =	vld [tilespmem:s21+$0x240]  }
0x6c: {  	v62 =	vld [tilespmem:s21+$0x250]  }
0x6d: {  	s20 =	simm.s32 $0xD040;
	v63 =	vld [tilespmem:s21+$0x260]  }
0x6e: {  	v8 =	vld [tilespmem:s21+$0x270];
	[tilespmem:s20+$0xFFFFFFC0] =	vst v57  }
0x6f: {  	[tilespmem:s20+$0xFFFFFFD0] =	vst v58  }
0x70: {  	[tilespmem:s20+$0xFFFFFFE0] =	vst v59  }
0x71: {  	[tilespmem:s20+$0xFFFFFFF0] =	vst v60  }
0x72: {  	[tilespmem:s20+$0x0] =	vst v61  }
0x73: {  	[tilespmem:s20+$0x10] =	vst v62  }
0x74: {  	[tilespmem:s20+$0x20] =	vst v63  }
0x75: {  	s22 =	simm.s32 $0x2;
	s21 =	simm.s32 $0xC;
	[tilespmem:s20+$0x30] =	vst v8  }
.LBB2_4:
0x76: {  	p0 =	sne.s32 s21, $0x640;
	v0 =	vld [tilespmem:s22+$0x0];
	s22 =	spop (v2sf)  }
0x77: {  	p1 =	slt.s32 s22, $0xA;
	s23 =	smov.u32 s22  }
0x78: {  	s23 =	simm.s32 @!p1 $0xA  }
0x79: {  	p1 =	sgt.s32 s22, $0x3E8;
	s22 =	sshll.u32 s23, $0x7  }
0x7a: {  	s22 =	simm.s32 @p1 $0x580  }
0x7b: {  	v1 =	vld [tilespmem:s22+$0x200];
	(v2sf) =	vpush v0, $0x0  }
0x7c: {  	v0 =	vld [tilespmem:s22+$0x210]  }
0x7d: {  	v2 =	vld [tilespmem:s22+$0x220]  }
0x7e: {  	v3 =	vld [tilespmem:s22+$0x230]  }
0x7f: {  	v4 =	vld [tilespmem:s22+$0x240]  }
0x80: {  	v5 =	vld [tilespmem:s22+$0x250]  }
0x81: {  	s20 =	sadd.s32 $0x80, s20;
	v6 =	vld [tilespmem:s22+$0x260]  }
0x82: {  	v7 =	vld [tilespmem:s22+$0x270];
	[tilespmem:s20+$0xFFFFFFC0] =	vst v1  }
0x83: {  	[tilespmem:s20+$0xFFFFFFD0] =	vst v0  }
0x84: {  	[tilespmem:s20+$0xFFFFFFE0] =	vst v2  }
.Ltmp1:
0x85: {  	[tilespmem:s20+$0xFFFFFFF0] =	vst v3;
	(pc) =	sbr.rel @p0 .LBB2_4-.Ltmp1, $4  }
0x86: {  	[tilespmem:s20+$0x0] =	vst v4  }
0x87: {  	[tilespmem:s20+$0x10] =	vst v5  }
0x88: {  	[tilespmem:s20+$0x20] =	vst v6  }
0x89: {  	s22 =	sshra.s32 s21, $0x2;
	s21 =	sadd.s32 $0x4, s21;
	[tilespmem:s20+$0x30] =	vst v7  }
0x8a: {  	s21 =	spop (v2sf)  }
0x8b: {  	p0 =	slt.s32 s21, $0xA  }
0x8c: {  	p1 =	sgt.s32 s21, $0x3E8;
	s21 =	simm.s32 @!p0 $0xA  }
0x8d: {  	v0 =	vld [tilespmem:s22+$0x0];
	s21 =	sshll.u32 s21, $0x7  }
0x8e: {  	s21 =	simm.s32 @p1 $0x580  }
0x8f: {  	v1 =	vld [tilespmem:s21+$0x200]  }
0x90: {  	v2 =	vld [tilespmem:s21+$0x210]  }
0x91: {  	v54 =	vld [tilespmem:s21+$0x220]  }
0x92: {  	(v2sf) =	vpush v0, $0x0;
	v3 =	vld [tilespmem:s21+$0x230]  }
0x93: {  	v4 =	vld [tilespmem:s21+$0x240]  }
0x94: {  	v5 =	vld [tilespmem:s21+$0x250]  }
0x95: {  	s20 =	sadd.s32 $0x80, s20;
	v6 =	vld [tilespmem:s21+$0x260]  }
0x96: {  	v7 =	vld [tilespmem:s21+$0x270];
	[tilespmem:s20+$0xFFFFFFC0] =	vst v1  }
0x97: {  	[tilespmem:s20+$0xFFFFFFD0] =	vst v2  }
0x98: {  	[tilespmem:s20+$0xFFFFFFE0] =	vst v54  }
0x99: {  	[tilespmem:s20+$0xFFFFFFF0] =	vst v3  }
0x9a: {  	[tilespmem:s20+$0x0] =	vst v4  }
0x9b: {  	[tilespmem:s20+$0x10] =	vst v5  }
0x9c: {  	[tilespmem:s20+$0x20] =	vst v6  }
0x9d: {  	[tilespmem:s20+$0x30] =	vst v7  }
0x9e: {  	[hbm4b:s7+s3] =	stream.linear.scatter [tilespmem:s16], [sflag:$0x2], $0xC800, $0x38;
	[tilespmem:$0x19800] =	vst v63  }
0x9f: {  	_ = 	snop  }
0xa0: {  	[tilespmem:s3], [sflag:$0x3] =	stream.linear.gather [hbm4b:s8+s3], $0x190, $0x38;
	[tilespmem:$0x19800] =	vst v63  }
0xa1: {  	s30 =	spop (v2sf)  }
0xa2: {  	_ =	swait.ge [sflag:s14], $0x190  }
0xa3: {  	[sflag:s14] =	ssyncset.done $0x0  }
0xa4: {  	[sflag:s14] =	ssyncadd.s32 $0xFFFFFE70  }
0xa5: {  	_ =	swait.ge [sflag:s17], $0xC800  }
0xa6: {  	[sflag:s17] =	ssyncset.done $0x0  }
0xa7: {  	[sflag:s17] =	ssyncadd.s32 $0xFFFF3800  }
0xa8: {  	v55 =	vld [tilespmem:$0x0];
	_ =	sdelay $0x4  }
0xa9: {  	(v2sf) =	vpush v55, $0x0;
	_ =	sdelay $0xd  }
0xaa: {  	s31 =	simm.s32 $0x1  }
0xab: {  	v56 =	vld [tilespmem:s31+$0x0];
	s20 =	spop (v2sf)  }
0xac: {  	p1 =	slt.s32 s20, $0xA  }
0xad: {  	p0 =	sgt.s32 s20, $0x3E8;
	s20 =	simm.s32 @!p1 $0xA  }
0xae: {  	s21 =	sshll.u32 s20, $0x7  }
0xaf: {  	s21 =	simm.s32 @p0 $0x580  }
0xb0: {  	(v2sf) =	vpush v56, $0x0;
	v57 =	vld [tilespmem:s21+$0x200]  }
0xb1: {  	v58 =	vld [tilespmem:s21+$0x210]  }
0xb2: {  	v59 =	vld [tilespmem:s21+$0x220]  }
0xb3: {  	v60 =	vld [tilespmem:s21+$0x230]  }
0xb4: {  	v61 =	vld [tilespmem:s21+$0x240]  }
0xb5: {  	v62 =	vld [tilespmem:s21+$0x250]  }
0xb6: {  	s20 =	simm.s32 $0x840;
	v63 =	vld [tilespmem:s21+$0x260]  }
0xb7: {  	v8 =	vld [tilespmem:s21+$0x270];
	[tilespmem:s20+$0xFFFFFFC0] =	vst v57  }
0xb8: {  	[tilespmem:s20+$0xFFFFFFD0] =	vst v58  }
0xb9: {  	[tilespmem:s20+$0xFFFFFFE0] =	vst v59  }
0xba: {  	[tilespmem:s20+$0xFFFFFFF0] =	vst v60  }
0xbb: {  	[tilespmem:s20+$0x0] =	vst v61  }
0xbc: {  	[tilespmem:s20+$0x10] =	vst v62  }
0xbd: {  	[tilespmem:s20+$0x20] =	vst v63  }
0xbe: {  	s22 =	simm.s32 $0x2;
	s21 =	simm.s32 $0xC;
	[tilespmem:s20+$0x30] =	vst v8  }
.LBB2_6:
0xbf: {  	p0 =	sne.s32 s21, $0x640;
	v0 =	vld [tilespmem:s22+$0x0];
	s22 =	spop (v2sf)  }
0xc0: {  	p1 =	slt.s32 s22, $0xA;
	s23 =	smov.u32 s22  }
0xc1: {  	s23 =	simm.s32 @!p1 $0xA  }
0xc2: {  	p1 =	sgt.s32 s22, $0x3E8;
	s22 =	sshll.u32 s23, $0x7  }
0xc3: {  	s22 =	simm.s32 @p1 $0x580  }
0xc4: {  	v1 =	vld [tilespmem:s22+$0x200];
	(v2sf) =	vpush v0, $0x0  }
0xc5: {  	v0 =	vld [tilespmem:s22+$0x210]  }
0xc6: {  	v2 =	vld [tilespmem:s22+$0x220]  }
0xc7: {  	v3 =	vld [tilespmem:s22+$0x230]  }
0xc8: {  	v4 =	vld [tilespmem:s22+$0x240]  }
0xc9: {  	v5 =	vld [tilespmem:s22+$0x250]  }
0xca: {  	s20 =	sadd.s32 $0x80, s20;
	v6 =	vld [tilespmem:s22+$0x260]  }
0xcb: {  	v7 =	vld [tilespmem:s22+$0x270];
	[tilespmem:s20+$0xFFFFFFC0] =	vst v1  }
0xcc: {  	[tilespmem:s20+$0xFFFFFFD0] =	vst v0  }
0xcd: {  	[tilespmem:s20+$0xFFFFFFE0] =	vst v2  }
.Ltmp2:
0xce: {  	[tilespmem:s20+$0xFFFFFFF0] =	vst v3;
	(pc) =	sbr.rel @p0 .LBB2_6-.Ltmp2, $4  }
0xcf: {  	[tilespmem:s20+$0x0] =	vst v4  }
0xd0: {  	[tilespmem:s20+$0x10] =	vst v5  }
0xd1: {  	[tilespmem:s20+$0x20] =	vst v6  }
0xd2: {  	s22 =	sshra.s32 s21, $0x2;
	s21 =	sadd.s32 $0x4, s21;
	[tilespmem:s20+$0x30] =	vst v7  }
0xd3: {  	s21 =	spop (v2sf)  }
0xd4: {  	p0 =	slt.s32 s21, $0xA  }
0xd5: {  	p1 =	sgt.s32 s21, $0x3E8;
	s21 =	simm.s32 @!p0 $0xA  }
0xd6: {  	v0 =	vld [tilespmem:s22+$0x0];
	s21 =	sshll.u32 s21, $0x7  }
0xd7: {  	s21 =	simm.s32 @p1 $0x580  }
0xd8: {  	v1 =	vld [tilespmem:s21+$0x200]  }
0xd9: {  	v2 =	vld [tilespmem:s21+$0x210]  }
0xda: {  	v54 =	vld [tilespmem:s21+$0x220]  }
0xdb: {  	(v2sf) =	vpush v0, $0x0;
	v3 =	vld [tilespmem:s21+$0x230]  }
0xdc: {  	v4 =	vld [tilespmem:s21+$0x240]  }
0xdd: {  	v5 =	vld [tilespmem:s21+$0x250]  }
0xde: {  	s20 =	sadd.s32 $0x80, s20;
	v6 =	vld [tilespmem:s21+$0x260]  }
0xdf: {  	v7 =	vld [tilespmem:s21+$0x270];
	[tilespmem:s20+$0xFFFFFFC0] =	vst v1  }
0xe0: {  	[tilespmem:s20+$0xFFFFFFD0] =	vst v2  }
0xe1: {  	[tilespmem:s20+$0xFFFFFFE0] =	vst v54  }
0xe2: {  	[tilespmem:s20+$0xFFFFFFF0] =	vst v3  }
0xe3: {  	[tilespmem:s20+$0x0] =	vst v4  }
0xe4: {  	[tilespmem:s20+$0x10] =	vst v5  }
0xe5: {  	[tilespmem:s20+$0x20] =	vst v6  }
0xe6: {  	[tilespmem:s20+$0x30] =	vst v7  }
0xe7: {  	[hbm4b:s9+s3] =	stream.linear.scatter [tilespmem:s15], [sflag:$0x1], $0xC800, $0x38;
	[tilespmem:$0x19800] =	vst v63  }
0xe8: {  	_ = 	snop  }
0xe9: {  	[tilespmem:s3], [sflag:$0x3] =	stream.linear.gather [hbm4b:s10+s3], $0x190, $0x38;
	[tilespmem:$0x19800] =	vst v63  }
0xea: {  	s30 =	spop (v2sf)  }
0xeb: {  	_ =	swait.ge [sflag:s14], $0x190  }
0xec: {  	[sflag:s14] =	ssyncset.done $0x0  }
0xed: {  	[sflag:s14] =	ssyncadd.s32 $0xFFFFFE70  }
0xee: {  	_ =	swait.ge [sflag:s18], $0xC800  }
0xef: {  	[sflag:s18] =	ssyncset.done $0x0  }
0xf0: {  	[sflag:s18] =	ssyncadd.s32 $0xFFFF3800  }
0xf1: {  	v55 =	vld [tilespmem:$0x0];
	_ =	sdelay $0x4  }
0xf2: {  	(v2sf) =	vpush v55, $0x0;
	_ =	sdelay $0xd  }
0xf3: {  	s31 =	simm.s32 $0x1  }
0xf4: {  	v56 =	vld [tilespmem:s31+$0x0];
	s20 =	spop (v2sf)  }
0xf5: {  	p1 =	slt.s32 s20, $0xA  }
0xf6: {  	p0 =	sgt.s32 s20, $0x3E8;
	s20 =	simm.s32 @!p1 $0xA  }
0xf7: {  	s21 =	sshll.u32 s20, $0x7  }
0xf8: {  	s21 =	simm.s32 @p0 $0x580  }
0xf9: {  	(v2sf) =	vpush v56, $0x0;
	v57 =	vld [tilespmem:s21+$0x200]  }
0xfa: {  	v58 =	vld [tilespmem:s21+$0x210]  }
0xfb: {  	v59 =	vld [tilespmem:s21+$0x220]  }
0xfc: {  	v60 =	vld [tilespmem:s21+$0x230]  }
0xfd: {  	v61 =	vld [tilespmem:s21+$0x240]  }
0xfe: {  	v62 =	vld [tilespmem:s21+$0x250]  }
0xff: {  	s20 =	simm.s32 $0xD040;
	v63 =	vld [tilespmem:s21+$0x260]  }
0x100: {  	v8 =	vld [tilespmem:s21+$0x270];
	[tilespmem:s20+$0xFFFFFFC0] =	vst v57  }
0x101: {  	[tilespmem:s20+$0xFFFFFFD0] =	vst v58  }
0x102: {  	[tilespmem:s20+$0xFFFFFFE0] =	vst v59  }
0x103: {  	[tilespmem:s20+$0xFFFFFFF0] =	vst v60  }
0x104: {  	[tilespmem:s20+$0x0] =	vst v61  }
0x105: {  	[tilespmem:s20+$0x10] =	vst v62  }
0x106: {  	[tilespmem:s20+$0x20] =	vst v63  }
0x107: {  	s22 =	simm.s32 $0x2;
	s21 =	simm.s32 $0xC;
	[tilespmem:s20+$0x30] =	vst v8  }
.LBB2_8:
0x108: {  	p0 =	sne.s32 s21, $0x640;
	v0 =	vld [tilespmem:s22+$0x0];
	s22 =	spop (v2sf)  }
0x109: {  	p1 =	slt.s32 s22, $0xA;
	s23 =	smov.u32 s22  }
0x10a: {  	s23 =	simm.s32 @!p1 $0xA  }
0x10b: {  	p1 =	sgt.s32 s22, $0x3E8;
	s22 =	sshll.u32 s23, $0x7  }
0x10c: {  	s22 =	simm.s32 @p1 $0x580  }
0x10d: {  	v1 =	vld [tilespmem:s22+$0x200];
	(v2sf) =	vpush v0, $0x0  }
0x10e: {  	v0 =	vld [tilespmem:s22+$0x210]  }
0x10f: {  	v2 =	vld [tilespmem:s22+$0x220]  }
0x110: {  	v3 =	vld [tilespmem:s22+$0x230]  }
0x111: {  	v4 =	vld [tilespmem:s22+$0x240]  }
0x112: {  	v5 =	vld [tilespmem:s22+$0x250]  }
0x113: {  	s20 =	sadd.s32 $0x80, s20;
	v6 =	vld [tilespmem:s22+$0x260]  }
0x114: {  	v7 =	vld [tilespmem:s22+$0x270];
	[tilespmem:s20+$0xFFFFFFC0] =	vst v1  }
0x115: {  	[tilespmem:s20+$0xFFFFFFD0] =	vst v0  }
0x116: {  	[tilespmem:s20+$0xFFFFFFE0] =	vst v2  }
.Ltmp3:
0x117: {  	[tilespmem:s20+$0xFFFFFFF0] =	vst v3;
	(pc) =	sbr.rel @p0 .LBB2_8-.Ltmp3, $4  }
0x118: {  	[tilespmem:s20+$0x0] =	vst v4  }
0x119: {  	[tilespmem:s20+$0x10] =	vst v5  }
0x11a: {  	[tilespmem:s20+$0x20] =	vst v6  }
0x11b: {  	s22 =	sshra.s32 s21, $0x2;
	s21 =	sadd.s32 $0x4, s21;
	[tilespmem:s20+$0x30] =	vst v7  }
0x11c: {  	s21 =	spop (v2sf)  }
0x11d: {  	v0 =	vld [tilespmem:s22+$0x0];
	p0 =	slt.s32 s21, $0xA  }
0x11e: {  	p1 =	sgt.s32 s21, $0x3E8;
	s21 =	simm.s32 @!p0 $0xA  }
0x11f: {  	s21 =	sshll.u32 s21, $0x7  }
0x120: {  	s21 =	simm.s32 @p1 $0x580  }
0x121: {  	v1 =	vld [tilespmem:s21+$0x200]  }
0x122: {  	(v2sf) =	vpush v0, $0x0;
	v63 =	vld [tilespmem:s21+$0x210]  }
0x123: {  	v2 =	vld [tilespmem:s21+$0x220]  }
0x124: {  	v3 =	vld [tilespmem:s21+$0x230]  }
0x125: {  	v4 =	vld [tilespmem:s21+$0x240]  }
0x126: {  	v5 =	vld [tilespmem:s21+$0x250]  }
0x127: {  	s20 =	sadd.s32 $0x80, s20;
	v6 =	vld [tilespmem:s21+$0x260]  }
0x128: {  	v7 =	vld [tilespmem:s21+$0x270];
	[tilespmem:s20+$0xFFFFFFC0] =	vst v1  }
0x129: {  	[tilespmem:s20+$0xFFFFFFD0] =	vst v63  }
0x12a: {  	[tilespmem:s20+$0xFFFFFFE0] =	vst v2  }
0x12b: {  	[tilespmem:s20+$0xFFFFFFF0] =	vst v3  }
0x12c: {  	[tilespmem:s20+$0x0] =	vst v4  }
0x12d: {  	[tilespmem:s20+$0x10] =	vst v5  }
0x12e: {  	[tilespmem:s20+$0x20] =	vst v6  }
0x12f: {  	[tilespmem:s20+$0x30] =	vst v7  }
0x130: {  	[hbm4b:s11+s3] =	stream.linear.scatter [tilespmem:s16], [sflag:$0x2], $0xC800, $0x38;
	[tilespmem:$0x19800] =	vst v63  }
0x131: {  	s19 =	sadd.s32 $0x1, s19;
	s31 =	spop (v2sf)  }
0x132: {  	p0 =	sne.s32 s19, s12;
	_ =	swait.ge [sflag:s17], $0xC800  }
.Ltmp4:
0x133: {  	[sflag:s17] =	ssyncset.done $0x0;
	(pc) =	sbr.rel @p0 .LBB2_1-.Ltmp4, $4  }
0x134: {  	[sflag:s17] =	ssyncadd.s32 $0xFFFF3800  }
0x135: {  	_ =	swait.ge [sflag:s18], $0xC800  }
0x136: {  	[sflag:s18] =	ssyncset.done $0x0  }
0x137: {  	[sflag:s18] =	ssyncadd.s32 $0xFFFF3800  }
0x138: {  	_ =	sfence.sel $0x180000  }
0x139: {  	[bflag:$0x0] =	sbarrier.arrive $0xFFFF  }
0x13a: {  	p0 =	sne.s32 s1, $0x0;
	_ =	strace $0x9000004A  }
0x13b: {  	s0 =	sadd.s32 @!p0 $0x100000, s0;
	[bflag:$0x2] =	sbarrier.arrive $0xFFFF  }
0x13c: {  	[sflag:s0] =	ssyncadd.tile.s32 @!p0 $0x1;
	_ =	shalt  }
.Lfunc_end2:
_tile_overlayer_lowered:
.L_overlay_start_2:
0x13d: {  	(tag) =	ssettag $0x2  }
0x13e: {  	s0 =	rddreg [dreg:$0x0];
	s2 =	stileid.u32  }
0x13f: {  	s1 =	rddreg [dreg:$0x1];
	p0 =	sne.s32 s2, $0x0  }
0x140: {  	s3 =	rddreg [dreg:$0x2];
	[bflag:$0x3] =	sbarrier.arrive $0xFFFF;
	s2 =	simm.s32 @!p0 $0x1C03  }
0x141: {  	[timem:s3], [sflag:s2] =	dma.local @!p0 [hbm:s0], s1  }
0x142: {  	s0 =	simm.s32 @!p0 $0x3  }
0x143: {  	_ =	swait.ge @!p0 [sflag:s0], s1  }
0x144: {  	s1 =	ssub.s32 @!p0 $0x0, s1;
	[sflag:s0] =	ssyncset.done @!p0 $0x0  }
0x145: {  	[sflag:s0] =	ssyncadd.s32 @!p0 s1  }
0x146: {  	[bflag:$0x3] =	sbarrier.arrive $0xFFFF  }
0x147: {  	_ =	shalt  }

</sc_bundles>
